<compile_context>
chip_gen: v7x
topology: tpu7x:2x2x1
jax: 0.10.2.dev20260603
libtpu: 0.0.44.dev20260713+nightly
codegen_flags: <defaults>
</compile_context>

<pallas_src>
import functools

import jax
import jax.numpy as jnp
import numpy as np
from jax import lax
from jax.experimental import pallas as pl
from jax.experimental.pallas import tpu as pltpu
from jax.experimental.pallas import tpu_sc as plsc

jax.config.update("jax_enable_x64", True)

_B = 16
_D = 64
_T = 1024
_NE = 1024
_ROWS = _B * _T
_TILE = 1024
_NTT = _T // _TILE
_NT = _ROWS // _TILE
_CCOST = 0.25
_Z = np.int32(0)

_SPLIT = np.float32(4097.0)
_C1 = np.float32(2.0 ** 4)
_C2 = np.float32(2.0 ** -8)
_C3 = np.float32(2.0 ** -6)


def _top2_body(a_ref, e_ref, i1_ref, i2_ref):
    at = a_ref[0]
    e = e_ref[...]
    b2c = jnp.sum(e * e, axis=1, keepdims=True)
    ea = jnp.concatenate([e, b2c], axis=1)
    n2at = -2.0 * at
    aa = jnp.concatenate([n2at, jnp.ones((1, _TILE), jnp.float32)], axis=0)
    eh = ea.astype(jnp.bfloat16)
    el = (ea - eh.astype(jnp.float32)).astype(jnp.bfloat16)
    ath = aa.astype(jnp.bfloat16)
    atl = (aa - ath.astype(jnp.float32)).astype(jnp.bfloat16)
    dn = (((1,), (0,)), ((), ()))

    def bmm(x, y):
        return lax.dot_general(x, y, dn,
                               preferred_element_type=jnp.float32)

    scores = bmm(eh, ath) + (bmm(eh, atl) + bmm(el, ath))
    rowf = lax.broadcasted_iota(jnp.int32, scores.shape, 0).astype(jnp.float32)
    big = jnp.float32(1e9)
    m1 = jnp.min(scores, axis=0, keepdims=True)
    i1f = jnp.min(jnp.where(scores == m1, rowf, big), axis=0, keepdims=True)
    notfirst = rowf != i1f
    m2 = jnp.min(jnp.where(notfirst, scores, jnp.float32(jnp.inf)),
                 axis=0, keepdims=True)
    i2f = jnp.min(jnp.where((scores == m2) & notfirst, rowf, big),
                  axis=0, keepdims=True)
    i1_ref[0] = i1f.astype(jnp.int32)
    i2_ref[0] = i2f.astype(jnp.int32)


def _top2(inputs, embeddings):
    return pl.pallas_call(
        _top2_body,
        grid=(_NT,),
        in_specs=[
            pl.BlockSpec((1, _D, _TILE), lambda i: (i // _NTT, _Z, i % _NTT)),
            pl.BlockSpec((_NE, _D), lambda i: (_Z, _Z)),
        ],
        out_specs=[
            pl.BlockSpec((1, 1, _TILE), lambda i: (i, _Z, _Z)),
            pl.BlockSpec((1, 1, _TILE), lambda i: (i, _Z, _Z)),
        ],
        out_shape=[
            jax.ShapeDtypeStruct((_NT, 1, _TILE), jnp.int32),
            jax.ShapeDtypeStruct((_NT, 1, _TILE), jnp.int32),
        ],
    )(inputs, embeddings)


def _make_sc_gather2():
    info = plsc.get_sparse_core_info()
    nw = info.num_cores * info.num_subcores
    bw = _ROWS // nw
    mesh = plsc.VectorSubcoreMesh(core_axis_name="c", subcore_axis_name="s")

    @functools.partial(
        pl.kernel,
        out_type=[
            jax.ShapeDtypeStruct((_ROWS, _D), jnp.float32),
            jax.ShapeDtypeStruct((_ROWS, _D), jnp.float32),
        ],
        mesh=mesh,
        scratch_types=[
            pltpu.VMEM((2 * bw,), jnp.int32),
            pltpu.VMEM((2 * bw, _D), jnp.float32),
            pltpu.SemaphoreType.DMA,
        ],
        compiler_params=pltpu.CompilerParams(use_tc_tiling_on_sc=False),
    )
    def gather_k(table_hbm, i1_hbm, i2_hbm, o1_hbm, o2_hbm,
                 idx_v, rows_v, sem):
        wid = lax.axis_index("s") * info.num_cores + lax.axis_index("c")
        base = wid * bw
        pltpu.sync_copy(i1_hbm.at[pl.ds(base, bw)], idx_v.at[pl.ds(0, bw)])
        pltpu.sync_copy(i2_hbm.at[pl.ds(base, bw)], idx_v.at[pl.ds(bw, bw)])
        pltpu.async_copy(table_hbm.at[idx_v], rows_v, sem).wait()
        pltpu.sync_copy(rows_v.at[pl.ds(0, bw)], o1_hbm.at[pl.ds(base, bw)])
        pltpu.sync_copy(rows_v.at[pl.ds(bw, bw)], o2_hbm.at[pl.ds(base, bw)])

    return gather_k


def _finish_body(in_ref, e1_ref, e2_ref, i1_ref, i2_ref,
                 qst_ref, win_ref, ps_ref):
    step = pl.program_id(0)
    at = in_ref[0]
    e1t = e1_ref[...].T
    e2t = e2_ref[...].T
    i1f = i1_ref[0].astype(jnp.float32)
    i2f = i2_ref[0].astype(jnp.float32)

    ca = at * _SPLIT
    ah = ca - (ca - at)
    al = at - ah

    def comp_score(ekt):
        cb = ekt * _SPLIT
        bh = cb - (cb - ekt)
        bl = ekt - bh
        p1 = ah * bh
        p2 = ah * bl
        p3 = al * bh
        p4 = al * bl
        ph = (p1 + _C1) - _C1
        plo = p1 - ph
        pm0 = (plo + _C2) - _C2
        pm2 = (p2 + _C2) - _C2
        pm3 = (p3 + _C2) - _C2
        pmid = (pm0 + pm2) + pm3
        rest = (((plo - pm0) + (p2 - pm2)) + (p3 - pm3)) + p4
        s1 = jnp.sum(ph, axis=0, keepdims=True)
        s2 = jnp.sum(pmid, axis=0, keepdims=True)
        s3 = jnp.sum(rest, axis=0, keepdims=True)
        q1 = (bh * bh + 2.0 * (bh * bl)) + bl * bl
        bm = (q1 + _C3) - _C3
        sb = jnp.sum(bm, axis=0, keepdims=True)
        sbr = jnp.sum(q1 - bm, axis=0, keepdims=True)
        th = s1 + s2
        zz = th - s1
        tl = (s1 - (th - zz)) + (s2 - zz)
        hh = sb - 2.0 * th
        z0 = hh - sb
        hl = (sb - (hh - z0)) + ((-2.0 * th) - z0)
        lo = ((hl + sbr) - 2.0 * tl) - 2.0 * s3
        hn = hh + lo
        zr = hn - hh
        ln = (hh - (hn - zr)) + (lo - zr)
        return hn, ln

    h1, l1 = comp_score(e1t)
    h2, l2 = comp_score(e2t)
    two_lt = (h2 < h1) | ((h2 == h1) & (l2 < l1))
    two_eq = (h2 == h1) & (l2 == l1)
    take2 = two_lt | (two_eq & (i2f < i1f))

    q = jnp.where(take2, e2t, e1t)
    winf = jnp.where(take2, i2f, i1f)
    win_ref[0] = winf.astype(jnp.int32)

    d = q - at
    qst_ref[0] = at + d
    @pl.when(step == 0)
    def _():
        ps_ref[...] = jnp.zeros_like(ps_ref)
    ps_ref[...] += jnp.sum(d * d, axis=0, keepdims=True)


def _finish(inputs, e1, e2, i1, i2):
    return pl.pallas_call(
        _finish_body,
        grid=(_NT,),
        in_specs=[
            pl.BlockSpec((1, _D, _TILE), lambda i: (i // _NTT, _Z, i % _NTT)),
            pl.BlockSpec((_TILE, _D), lambda i: (i, _Z)),
            pl.BlockSpec((_TILE, _D), lambda i: (i, _Z)),
            pl.BlockSpec((1, 1, _TILE), lambda i: (i, _Z, _Z)),
            pl.BlockSpec((1, 1, _TILE), lambda i: (i, _Z, _Z)),
        ],
        out_specs=[
            pl.BlockSpec((1, _D, _TILE), lambda i: (i // _NTT, _Z, i % _NTT)),
            pl.BlockSpec((1, 1, _TILE), lambda i: (i, _Z, _Z)),
            pl.BlockSpec((1, _TILE), lambda i: (_Z, _Z)),
        ],
        out_shape=[
            jax.ShapeDtypeStruct((_B, _D, _T), jnp.float32),
            jax.ShapeDtypeStruct((_NT, 1, _TILE), jnp.int32),
            jax.ShapeDtypeStruct((1, _TILE), jnp.float32),
        ],
    )(inputs, e1, e2, i1, i2)


def kernel(inputs, embeddings):
    i1, i2 = _top2(inputs, embeddings)
    e1, e2 = _make_sc_gather2()(embeddings,
                                i1.reshape(_ROWS), i2.reshape(_ROWS))
    qst, win, ps = _finish(inputs, e1, e2, i1, i2)
    mse = (jnp.sum(ps) / jnp.float32(_ROWS * _D)).astype(jnp.float32)
    loss = (mse + jnp.float32(_CCOST) * mse).astype(jnp.float32)
    enc = win.reshape(_ROWS).astype(jnp.int64)
    return (qst, loss, mse, mse, enc)

# --- scband reference (transcript-rebuilt; emitter-appended) ---
"""Pipeline reference for scband-vector-quantizer-31894427140465 (READ-ONLY COPY).

The authoritative reference and input builder live on the scoring server;
editing this copy changes nothing except your own understanding.
"""

import jax, jax.numpy as jnp
import numpy as np
jax.config.update("jax_enable_x64", True)

NUM_EMBEDDINGS = 1024
EMBEDDING_DIM = 64
COMMITMENT_COST = 0.25


def setup_inputs(seed: int = 0) -> dict:
    key = jax.random.key(seed)
    k1, k2 = jax.random.split(key)
    inputs = jax.random.normal(k1, (16, 64, 1024), dtype=jnp.float32)
    embeddings = jax.random.uniform(
        k2, (NUM_EMBEDDINGS, EMBEDDING_DIM), dtype=jnp.float32,
        minval=-1.0 / NUM_EMBEDDINGS, maxval=1.0 / NUM_EMBEDDINGS)
    return {"inputs": inputs, "embeddings": embeddings}


def _cdist(a, b):
    # Euclidean pairwise distances, matches torch.cdist(p=2) semantics.
    a2 = jnp.sum(a * a, axis=1, keepdims=True)
    b2 = jnp.sum(b * b, axis=1)[None, :]
    d2 = a2 + b2 - 2.0 * (a @ b.T)
    return jnp.sqrt(jnp.maximum(d2, 0.0))


def reference(inputs, embeddings):
    B, D, T = inputs.shape
    flat_input = jnp.transpose(inputs, (0, 2, 1)).reshape(-1, D)
    distances = _cdist(flat_input.astype(jnp.float64), embeddings.astype(jnp.float64))
    encoding_indices = jnp.argmin(distances, axis=1)
    encodings = jax.nn.one_hot(encoding_indices, NUM_EMBEDDINGS, dtype=flat_input.dtype)
    quantized = jnp.take(embeddings, encoding_indices, axis=0)
    quantized = jnp.transpose(quantized.reshape(B, T, D), (0, 2, 1))
    quantized_detached = jax.lax.stop_gradient(quantized)
    e_latent_loss = jnp.mean((quantized_detached - inputs) ** 2)
    q_latent_loss = jnp.mean((quantized - jax.lax.stop_gradient(inputs)) ** 2)
    loss = q_latent_loss + COMMITMENT_COST * e_latent_loss
    quantized_st = inputs + jax.lax.stop_gradient(quantized - inputs)
    avg_probs = jnp.mean(encodings, axis=0)  # computed (as in torch) but not returned
    del avg_probs
    return (quantized_st, loss, e_latent_loss, q_latent_loss, encoding_indices)

if __name__ == "__main__":
    import jax
    _d = setup_inputs()
    print(jax.jit(kernel)(*tuple(_d.values())))

</pallas_src>

<mosaic_0001>
#map = affine_map<(d0, d1) -> (0, 0)>
#map1 = affine_map<(d0, d1) -> (0)>
module attributes {stable_mosaic.version = 14 : i64} {
  func.func @gather_k(%arg0: i32, %arg1: i32, %arg2: memref<1024x64xf32, #tpu.memory_space<hbm>>, %arg3: memref<16384xi32, #tpu.memory_space<hbm>>, %arg4: memref<16384xi32, #tpu.memory_space<hbm>>, %arg5: memref<16384x64xf32, #tpu.memory_space<hbm>>, %arg6: memref<16384x64xf32, #tpu.memory_space<hbm>>, %arg7: memref<1024xi32, #tpu.memory_space<vmem>>, %arg8: memref<1024x64xf32, #tpu.memory_space<vmem>>, %arg9: memref<!tpu.dma_semaphore, #tpu.memory_space<semaphore_mem>>) attributes {dimension_semantics = [#tpu.dimension_semantics<core_parallel>, #tpu.dimension_semantics<subcore_parallel>], iteration_bounds = array<i64: 2, 16>, scalar_prefetch = 0 : i64, scratch_operands = 3 : i64, tpu.core_type = #tpu.core_type<sc_vector_subcore>, window_params = [{transform_indices = #map}, {transform_indices = #map1}, {transform_indices = #map1}, {transform_indices = #map}, {transform_indices = #map}]} {
    %mul3A = arith.constant 2 : i32
    %mul3A_0 = arith.muli %arg1, %mul3A : i32
    %add3A = arith.addi %mul3A_0, %arg0 : i32
    %mul3A_1 = arith.constant 512 : i32
    %mul3A_2 = arith.muli %add3A, %mul3A_1 : i32
    "tpu.region"() ({
      %run_scoped3A = tpu.sem_alloc : memref<!tpu.dma_semaphore, #tpu.memory_space<semaphore_mem>>
      %dma_start3A_7 = arith.constant 0 : i32
      %dma_start3A_8 = tpu.memref_slice %arg7[%dma_start3A_7] : memref<1024xi32, #tpu.memory_space<vmem>> -> memref<512xi32, #tpu.memory_space<vmem>>
      %dma_start3A_9 = tpu.memref_slice %arg3[%mul3A_2] : memref<16384xi32, #tpu.memory_space<hbm>> -> memref<512xi32, #tpu.memory_space<hbm>>
      %dma_start3A_10 = arith.constant 0 : i32
      %dma_start3A_11 = tpu.memref_slice %arg7[%dma_start3A_10] : memref<1024xi32, #tpu.memory_space<vmem>> -> memref<512xi32, #tpu.memory_space<vmem>>
      %dma_start3A_12 = tpu.memref_slice %arg3[%mul3A_2] : memref<16384xi32, #tpu.memory_space<hbm>> -> memref<512xi32, #tpu.memory_space<hbm>>
      tpu.enqueue_dma source(%dma_start3A_12 : memref<512xi32, #tpu.memory_space<hbm>>) target(%dma_start3A_11 : memref<512xi32, #tpu.memory_space<vmem>>) target_semaphore(%run_scoped3A : memref<!tpu.dma_semaphore, #tpu.memory_space<semaphore_mem>>)
      %dma_wait3A_13 = arith.constant 0 : i32
      %dma_wait3A_14 = tpu.memref_slice %arg7[%dma_wait3A_13] : memref<1024xi32, #tpu.memory_space<vmem>> -> memref<512xi32, #tpu.memory_space<vmem>>
      %dma_wait3A_15 = tpu.memref_slice %arg3[%mul3A_2] : memref<16384xi32, #tpu.memory_space<hbm>> -> memref<512xi32, #tpu.memory_space<hbm>>
      %dma_wait3A_16 = arith.constant 0 : i32
      %dma_wait3A_17 = tpu.memref_slice %arg7[%dma_wait3A_16] : memref<1024xi32, #tpu.memory_space<vmem>> -> memref<512xi32, #tpu.memory_space<vmem>>
      %dma_wait3A_18 = tpu.memref_slice %arg3[%mul3A_2] : memref<16384xi32, #tpu.memory_space<hbm>> -> memref<512xi32, #tpu.memory_space<hbm>>
      tpu.wait_dma2 semaphore(%run_scoped3A : memref<!tpu.dma_semaphore, #tpu.memory_space<semaphore_mem>>) src(%dma_wait3A_18 : memref<512xi32, #tpu.memory_space<hbm>>) dst(%dma_wait3A_17 : memref<512xi32, #tpu.memory_space<vmem>>)
      tpu.yield
    }) : () -> ()
    "tpu.region"() ({
      %run_scoped3A = tpu.sem_alloc : memref<!tpu.dma_semaphore, #tpu.memory_space<semaphore_mem>>
      %dma_start3A_7 = arith.constant 512 : i32
      %dma_start3A_8 = tpu.memref_slice %arg7[%dma_start3A_7] : memref<1024xi32, #tpu.memory_space<vmem>> -> memref<512xi32, #tpu.memory_space<vmem>>
      %dma_start3A_9 = tpu.memref_slice %arg4[%mul3A_2] : memref<16384xi32, #tpu.memory_space<hbm>> -> memref<512xi32, #tpu.memory_space<hbm>>
      %dma_start3A_10 = arith.constant 512 : i32
      %dma_start3A_11 = tpu.memref_slice %arg7[%dma_start3A_10] : memref<1024xi32, #tpu.memory_space<vmem>> -> memref<512xi32, #tpu.memory_space<vmem>>
      %dma_start3A_12 = tpu.memref_slice %arg4[%mul3A_2] : memref<16384xi32, #tpu.memory_space<hbm>> -> memref<512xi32, #tpu.memory_space<hbm>>
      tpu.enqueue_dma source(%dma_start3A_12 : memref<512xi32, #tpu.memory_space<hbm>>) target(%dma_start3A_11 : memref<512xi32, #tpu.memory_space<vmem>>) target_semaphore(%run_scoped3A : memref<!tpu.dma_semaphore, #tpu.memory_space<semaphore_mem>>)
      %dma_wait3A_13 = arith.constant 512 : i32
      %dma_wait3A_14 = tpu.memref_slice %arg7[%dma_wait3A_13] : memref<1024xi32, #tpu.memory_space<vmem>> -> memref<512xi32, #tpu.memory_space<vmem>>
      %dma_wait3A_15 = tpu.memref_slice %arg4[%mul3A_2] : memref<16384xi32, #tpu.memory_space<hbm>> -> memref<512xi32, #tpu.memory_space<hbm>>
      %dma_wait3A_16 = arith.constant 512 : i32
      %dma_wait3A_17 = tpu.memref_slice %arg7[%dma_wait3A_16] : memref<1024xi32, #tpu.memory_space<vmem>> -> memref<512xi32, #tpu.memory_space<vmem>>
      %dma_wait3A_18 = tpu.memref_slice %arg4[%mul3A_2] : memref<16384xi32, #tpu.memory_space<hbm>> -> memref<512xi32, #tpu.memory_space<hbm>>
      tpu.wait_dma2 semaphore(%run_scoped3A : memref<!tpu.dma_semaphore, #tpu.memory_space<semaphore_mem>>) src(%dma_wait3A_18 : memref<512xi32, #tpu.memory_space<hbm>>) dst(%dma_wait3A_17 : memref<512xi32, #tpu.memory_space<vmem>>)
      tpu.yield
    }) : () -> ()
    %dma_start3A = arith.constant 0 : i32
    %dma_start3A_3 = arith.constant 0 : i32
    %dma_start3A_4 = tpu.memref_slice %arg2[%dma_start3A, %dma_start3A_3] : memref<1024x64xf32, #tpu.memory_space<hbm>> -> memref<1024x64xf32, #tpu.memory_space<hbm>>
    tpu.enqueue_indirect_dma source(%dma_start3A_4 : memref<1024x64xf32, #tpu.memory_space<hbm>>) target(%arg8 : memref<1024x64xf32, #tpu.memory_space<vmem>>) offsets(%arg7 : memref<1024xi32, #tpu.memory_space<vmem>>) semaphore(%arg9 : memref<!tpu.dma_semaphore, #tpu.memory_space<semaphore_mem>>)
    %dma_wait3A = arith.constant 0 : i32
    %dma_wait3A_5 = arith.constant 0 : i32
    %dma_wait3A_6 = tpu.memref_slice %arg2[%dma_wait3A, %dma_wait3A_5] : memref<1024x64xf32, #tpu.memory_space<hbm>> -> memref<1024x64xf32, #tpu.memory_space<hbm>>
    tpu.wait_indirect_dma semaphore(%arg9 : memref<!tpu.dma_semaphore, #tpu.memory_space<semaphore_mem>>) src(%dma_wait3A_6 : memref<1024x64xf32, #tpu.memory_space<hbm>>) dst(%arg8 : memref<1024x64xf32, #tpu.memory_space<vmem>>)
    "tpu.region"() ({
      %run_scoped3A = tpu.sem_alloc : memref<!tpu.dma_semaphore, #tpu.memory_space<semaphore_mem>>
      %dma_start3A_7 = arith.constant 0 : i32
      %dma_start3A_8 = arith.constant 0 : i32
      %dma_start3A_9 = tpu.memref_slice %arg8[%dma_start3A_7, %dma_start3A_8] : memref<1024x64xf32, #tpu.memory_space<vmem>> -> memref<512x64xf32, #tpu.memory_space<vmem>>
      %dma_start3A_10 = arith.constant 0 : i32
      %dma_start3A_11 = tpu.memref_slice %arg5[%mul3A_2, %dma_start3A_10] : memref<16384x64xf32, #tpu.memory_space<hbm>> -> memref<512x64xf32, #tpu.memory_space<hbm>>
      %dma_start3A_12 = arith.constant 0 : i32
      %dma_start3A_13 = tpu.memref_slice %arg5[%mul3A_2, %dma_start3A_12] : memref<16384x64xf32, #tpu.memory_space<hbm>> -> memref<512x64xf32, #tpu.memory_space<hbm>>
      %dma_start3A_14 = arith.constant 0 : i32
      %dma_start3A_15 = arith.constant 0 : i32
      %dma_start3A_16 = tpu.memref_slice %arg8[%dma_start3A_14, %dma_start3A_15] : memref<1024x64xf32, #tpu.memory_space<vmem>> -> memref<512x64xf32, #tpu.memory_space<vmem>>
      tpu.enqueue_dma source(%dma_start3A_16 : memref<512x64xf32, #tpu.memory_space<vmem>>) target(%dma_start3A_13 : memref<512x64xf32, #tpu.memory_space<hbm>>) target_semaphore(%run_scoped3A : memref<!tpu.dma_semaphore, #tpu.memory_space<semaphore_mem>>)
      %dma_wait3A_17 = arith.constant 0 : i32
      %dma_wait3A_18 = arith.constant 0 : i32
      %dma_wait3A_19 = tpu.memref_slice %arg8[%dma_wait3A_17, %dma_wait3A_18] : memref<1024x64xf32, #tpu.memory_space<vmem>> -> memref<512x64xf32, #tpu.memory_space<vmem>>
      %dma_wait3A_20 = arith.constant 0 : i32
      %dma_wait3A_21 = tpu.memref_slice %arg5[%mul3A_2, %dma_wait3A_20] : memref<16384x64xf32, #tpu.memory_space<hbm>> -> memref<512x64xf32, #tpu.memory_space<hbm>>
      %dma_wait3A_22 = arith.constant 0 : i32
      %dma_wait3A_23 = tpu.memref_slice %arg5[%mul3A_2, %dma_wait3A_22] : memref<16384x64xf32, #tpu.memory_space<hbm>> -> memref<512x64xf32, #tpu.memory_space<hbm>>
      %dma_wait3A_24 = arith.constant 0 : i32
      %dma_wait3A_25 = arith.constant 0 : i32
      %dma_wait3A_26 = tpu.memref_slice %arg8[%dma_wait3A_24, %dma_wait3A_25] : memref<1024x64xf32, #tpu.memory_space<vmem>> -> memref<512x64xf32, #tpu.memory_space<vmem>>
      tpu.wait_dma2 semaphore(%run_scoped3A : memref<!tpu.dma_semaphore, #tpu.memory_space<semaphore_mem>>) src(%dma_wait3A_26 : memref<512x64xf32, #tpu.memory_space<vmem>>) dst(%dma_wait3A_23 : memref<512x64xf32, #tpu.memory_space<hbm>>)
      tpu.yield
    }) : () -> ()
    "tpu.region"() ({
      %run_scoped3A = tpu.sem_alloc : memref<!tpu.dma_semaphore, #tpu.memory_space<semaphore_mem>>
      %dma_start3A_7 = arith.constant 512 : i32
      %dma_start3A_8 = arith.constant 0 : i32
      %dma_start3A_9 = tpu.memref_slice %arg8[%dma_start3A_7, %dma_start3A_8] : memref<1024x64xf32, #tpu.memory_space<vmem>> -> memref<512x64xf32, #tpu.memory_space<vmem>>
      %dma_start3A_10 = arith.constant 0 : i32
      %dma_start3A_11 = tpu.memref_slice %arg6[%mul3A_2, %dma_start3A_10] : memref<16384x64xf32, #tpu.memory_space<hbm>> -> memref<512x64xf32, #tpu.memory_space<hbm>>
      %dma_start3A_12 = arith.constant 0 : i32
      %dma_start3A_13 = tpu.memref_slice %arg6[%mul3A_2, %dma_start3A_12] : memref<16384x64xf32, #tpu.memory_space<hbm>> -> memref<512x64xf32, #tpu.memory_space<hbm>>
      %dma_start3A_14 = arith.constant 512 : i32
      %dma_start3A_15 = arith.constant 0 : i32
      %dma_start3A_16 = tpu.memref_slice %arg8[%dma_start3A_14, %dma_start3A_15] : memref<1024x64xf32, #tpu.memory_space<vmem>> -> memref<512x64xf32, #tpu.memory_space<vmem>>
      tpu.enqueue_dma source(%dma_start3A_16 : memref<512x64xf32, #tpu.memory_space<vmem>>) target(%dma_start3A_13 : memref<512x64xf32, #tpu.memory_space<hbm>>) target_semaphore(%run_scoped3A : memref<!tpu.dma_semaphore, #tpu.memory_space<semaphore_mem>>)
      %dma_wait3A_17 = arith.constant 512 : i32
      %dma_wait3A_18 = arith.constant 0 : i32
      %dma_wait3A_19 = tpu.memref_slice %arg8[%dma_wait3A_17, %dma_wait3A_18] : memref<1024x64xf32, #tpu.memory_space<vmem>> -> memref<512x64xf32, #tpu.memory_space<vmem>>
      %dma_wait3A_20 = arith.constant 0 : i32
      %dma_wait3A_21 = tpu.memref_slice %arg6[%mul3A_2, %dma_wait3A_20] : memref<16384x64xf32, #tpu.memory_space<hbm>> -> memref<512x64xf32, #tpu.memory_space<hbm>>
      %dma_wait3A_22 = arith.constant 0 : i32
      %dma_wait3A_23 = tpu.memref_slice %arg6[%mul3A_2, %dma_wait3A_22] : memref<16384x64xf32, #tpu.memory_space<hbm>> -> memref<512x64xf32, #tpu.memory_space<hbm>>
      %dma_wait3A_24 = arith.constant 512 : i32
      %dma_wait3A_25 = arith.constant 0 : i32
      %dma_wait3A_26 = tpu.memref_slice %arg8[%dma_wait3A_24, %dma_wait3A_25] : memref<1024x64xf32, #tpu.memory_space<vmem>> -> memref<512x64xf32, #tpu.memory_space<vmem>>
      tpu.wait_dma2 semaphore(%run_scoped3A : memref<!tpu.dma_semaphore, #tpu.memory_space<semaphore_mem>>) src(%dma_wait3A_26 : memref<512x64xf32, #tpu.memory_space<vmem>>) dst(%dma_wait3A_23 : memref<512x64xf32, #tpu.memory_space<hbm>>)
      tpu.yield
    }) : () -> ()
    return
  }
}

module attributes {stable_mosaic.version = 14 : i64} {
  func.func @_top2_body(%arg0: i32, %arg1: memref<1x64x1024xf32, #tpu.memory_space<vmem>>, %arg2: memref<1024x64xf32, #tpu.memory_space<vmem>>, %arg3: memref<1x1x1024xi32, #tpu.memory_space<vmem>>, %arg4: memref<1x1x1024xi32, #tpu.memory_space<vmem>>) attributes {dimension_semantics = [#tpu.dimension_semantics<arbitrary>], iteration_bounds = array<i64: 16>, scalar_prefetch = 0 : i64, scratch_operands = 0 : i64, tpu.core_type = #tpu.core_type<tc>, window_params = [{transform_indices = @transform_0, window_bounds = array<i64: 1, 64, 1024>}, {pipeline_mode = #tpu.pipeline_mode<synchronous>, transform_indices = @transform_1, window_bounds = array<i64: 1024, 64>}, {transform_indices = @transform_2, window_bounds = array<i64: 1, 1, 1024>}, {transform_indices = @transform_3, window_bounds = array<i64: 1, 1, 1024>}]} {
    %get3A = arith.constant 0 : index
    %get3A_0 = arith.constant 0 : index
    %get3A_1 = arith.constant 0 : index
    %get3A_2 = vector.load %arg1[%get3A, %get3A_0, %get3A_1] : memref<1x64x1024xf32, #tpu.memory_space<vmem>>, vector<1x64x1024xf32>
    %get3A_3 = vector.shape_cast %get3A_2 : vector<1x64x1024xf32> to vector<64x1024xf32>
    %get3A_4 = arith.constant 0 : index
    %get3A_5 = arith.constant 0 : index
    %get3A_6 = vector.load %arg2[%get3A_4, %get3A_5] : memref<1024x64xf32, #tpu.memory_space<vmem>>, vector<1024x64xf32>
    %mul3A = arith.mulf %get3A_6, %get3A_6 : vector<1024x64xf32>
    %reduce_sum3A = arith.constant dense<0.000000e+00> : vector<1024xf32>
    %reduce_sum3A_7 = vector.multi_reduction <add>, %mul3A, %reduce_sum3A [1] : vector<1024x64xf32> to vector<1024xf32>
    %broadcast_in_dim3A = vector.shape_cast %reduce_sum3A_7 : vector<1024xf32> to vector<1024x1xf32>
    %concatenate3A = tpu.concatenate %get3A_6, %broadcast_in_dim3A in 1 : vector<1024x64xf32>, vector<1024x1xf32> -> vector<1024x65xf32>
    %mul3A_8 = arith.constant -2.000000e+00 : f32
    %mul3A_9 = vector.broadcast %mul3A_8 : f32 to vector<64x1024xf32>
    %mul3A_10 = arith.mulf %mul3A_9, %get3A_3 : vector<64x1024xf32>
    %broadcast_in_dim3A_11 = arith.constant 1.000000e+00 : f32
    %broadcast_in_dim3A_12 = vector.broadcast %broadcast_in_dim3A_11 : f32 to vector<1x1024xf32>
    %concatenate3A_13 = tpu.concatenate %mul3A_10, %broadcast_in_dim3A_12 in 0 : vector<64x1024xf32>, vector<1x1024xf32> -> vector<65x1024xf32>
    %convert_element_type3A = arith.truncf %concatenate3A : vector<1024x65xf32> to vector<1024x65xbf16>
    %convert_element_type3A_14 = arith.extf %convert_element_type3A : vector<1024x65xbf16> to vector<1024x65xf32>
    %sub3A = arith.subf %concatenate3A, %convert_element_type3A_14 : vector<1024x65xf32>
    %convert_element_type3A_15 = arith.truncf %sub3A : vector<1024x65xf32> to vector<1024x65xbf16>
    %convert_element_type3A_16 = arith.truncf %concatenate3A_13 : vector<65x1024xf32> to vector<65x1024xbf16>
    %convert_element_type3A_17 = arith.extf %convert_element_type3A_16 : vector<65x1024xbf16> to vector<65x1024xf32>
    %sub3A_18 = arith.subf %concatenate3A_13, %convert_element_type3A_17 : vector<65x1024xf32>
    %convert_element_type3A_19 = arith.truncf %sub3A_18 : vector<65x1024xf32> to vector<65x1024xbf16>
    %dot_general3A = arith.constant dense<0.000000e+00> : vector<1024x1024xf32>
    %dot_general3A_20 = tpu.matmul %convert_element_type3A, %convert_element_type3A_16, %dot_general3A {dimension_numbers = #tpu.dot_dimension_numbers<[1], [0], [0], [1], [0, 0, 1, 1], [], []>, transpose_lhs_hint = false} : vector<1024x65xbf16>, vector<65x1024xbf16>, vector<1024x1024xf32> -> vector<1024x1024xf32>
    %dot_general3A_21 = arith.constant dense<0.000000e+00> : vector<1024x1024xf32>
    %dot_general3A_22 = tpu.matmul %convert_element_type3A, %convert_element_type3A_19, %dot_general3A_21 {dimension_numbers = #tpu.dot_dimension_numbers<[1], [0], [0], [1], [0, 0, 1, 1], [], []>, transpose_lhs_hint = false} : vector<1024x65xbf16>, vector<65x1024xbf16>, vector<1024x1024xf32> -> vector<1024x1024xf32>
    %dot_general3A_23 = arith.constant dense<0.000000e+00> : vector<1024x1024xf32>
    %dot_general3A_24 = tpu.matmul %convert_element_type3A_15, %convert_element_type3A_16, %dot_general3A_23 {dimension_numbers = #tpu.dot_dimension_numbers<[1], [0], [0], [1], [0, 0, 1, 1], [], []>, transpose_lhs_hint = false} : vector<1024x65xbf16>, vector<65x1024xbf16>, vector<1024x1024xf32> -> vector<1024x1024xf32>
    %add3A = arith.addf %dot_general3A_22, %dot_general3A_24 : vector<1024x1024xf32>
    %add3A_25 = arith.addf %dot_general3A_20, %add3A : vector<1024x1024xf32>
    %iota3A = tpu.iota {dimensions = array<i32: 0>} : vector<1024x1024xi32>
    %convert_element_type3A_26 = arith.sitofp %iota3A : vector<1024x1024xi32> to vector<1024x1024xf32>
    %reduce_min3A = arith.constant dense<0x7F800000> : vector<1024xf32>
    %reduce_min3A_27 = vector.multi_reduction <minimumf>, %add3A_25, %reduce_min3A [0] : vector<1024x1024xf32> to vector<1024xf32>
    %broadcast_in_dim3A_28 = vector.shape_cast %reduce_min3A_27 : vector<1024xf32> to vector<1x1024xf32>
    %eq3A = vector.broadcast %broadcast_in_dim3A_28 : vector<1x1024xf32> to vector<1024x1024xf32>
    %eq3A_29 = arith.cmpf oeq, %add3A_25, %eq3A : vector<1024x1024xf32>
    %jit3A = arith.constant 1.000000e+09 : f32
    %broadcast_in_dim3A_30 = vector.broadcast %jit3A : f32 to vector<1024x1024xf32>
    %select_n3A = arith.select %eq3A_29, %convert_element_type3A_26, %broadcast_in_dim3A_30 : vector<1024x1024xi1>, vector<1024x1024xf32>
    %reduce_min3A_31 = arith.constant dense<0x7F800000> : vector<1024xf32>
    %reduce_min3A_32 = vector.multi_reduction <minimumf>, %select_n3A, %reduce_min3A_31 [0] : vector<1024x1024xf32> to vector<1024xf32>
    %broadcast_in_dim3A_33 = vector.shape_cast %reduce_min3A_32 : vector<1024xf32> to vector<1x1024xf32>
    %ne3A = vector.broadcast %broadcast_in_dim3A_33 : vector<1x1024xf32> to vector<1024x1024xf32>
    %ne3A_34 = arith.cmpf one, %convert_element_type3A_26, %ne3A : vector<1024x1024xf32>
    %jit3A_35 = arith.constant 0x7F800000 : f32
    %broadcast_in_dim3A_36 = vector.broadcast %jit3A_35 : f32 to vector<1024x1024xf32>
    %select_n3A_37 = arith.select %ne3A_34, %add3A_25, %broadcast_in_dim3A_36 : vector<1024x1024xi1>, vector<1024x1024xf32>
    %reduce_min3A_38 = arith.constant dense<0x7F800000> : vector<1024xf32>
    %reduce_min3A_39 = vector.multi_reduction <minimumf>, %select_n3A_37, %reduce_min3A_38 [0] : vector<1024x1024xf32> to vector<1024xf32>
    %broadcast_in_dim3A_40 = vector.shape_cast %reduce_min3A_39 : vector<1024xf32> to vector<1x1024xf32>
    %eq3A_41 = vector.broadcast %broadcast_in_dim3A_40 : vector<1x1024xf32> to vector<1024x1024xf32>
    %eq3A_42 = arith.cmpf oeq, %add3A_25, %eq3A_41 : vector<1024x1024xf32>
    %and3A = arith.andi %eq3A_42, %ne3A_34 : vector<1024x1024xi1>
    %jit3A_43 = arith.constant 1.000000e+09 : f32
    %broadcast_in_dim3A_44 = vector.broadcast %jit3A_43 : f32 to vector<1024x1024xf32>
    %select_n3A_45 = arith.select %and3A, %convert_element_type3A_26, %broadcast_in_dim3A_44 : vector<1024x1024xi1>, vector<1024x1024xf32>
    %reduce_min3A_46 = arith.constant dense<0x7F800000> : vector<1024xf32>
    %reduce_min3A_47 = vector.multi_reduction <minimumf>, %select_n3A_45, %reduce_min3A_46 [0] : vector<1024x1024xf32> to vector<1024xf32>
    %broadcast_in_dim3A_48 = vector.shape_cast %reduce_min3A_47 : vector<1024xf32> to vector<1x1024xf32>
    %convert_element_type3A_49 = arith.fptosi %broadcast_in_dim3A_33 : vector<1x1024xf32> to vector<1x1024xi32>
    %swap3A = arith.constant 0 : index
    %swap3A_50 = arith.constant 0 : index
    %swap3A_51 = arith.constant 0 : index
    %swap3A_52 = vector.load %arg3[%swap3A, %swap3A_50, %swap3A_51] : memref<1x1x1024xi32, #tpu.memory_space<vmem>>, vector<1x1x1024xi32>
    %swap3A_53 = vector.shape_cast %swap3A_52 : vector<1x1x1024xi32> to vector<1x1024xi32>
    %swap3A_54 = vector.shape_cast %convert_element_type3A_49 : vector<1x1024xi32> to vector<1x1x1024xi32>
    tpu.vector_store %arg3[%swap3A, %swap3A_50, %swap3A_51], %swap3A_54 {strides = array<i32>} : memref<1x1x1024xi32, #tpu.memory_space<vmem>>, vector<1x1x1024xi32>,
    %convert_element_type3A_55 = arith.fptosi %broadcast_in_dim3A_48 : vector<1x1024xf32> to vector<1x1024xi32>
    %swap3A_56 = arith.constant 0 : index
    %swap3A_57 = arith.constant 0 : index
    %swap3A_58 = arith.constant 0 : index
    %swap3A_59 = vector.load %arg4[%swap3A_56, %swap3A_57, %swap3A_58] : memref<1x1x1024xi32, #tpu.memory_space<vmem>>, vector<1x1x1024xi32>
    %swap3A_60 = vector.shape_cast %swap3A_59 : vector<1x1x1024xi32> to vector<1x1024xi32>
    %swap3A_61 = vector.shape_cast %convert_element_type3A_55 : vector<1x1024xi32> to vector<1x1x1024xi32>
    tpu.vector_store %arg4[%swap3A_56, %swap3A_57, %swap3A_58], %swap3A_61 {strides = array<i32>} : memref<1x1x1024xi32, #tpu.memory_space<vmem>>, vector<1x1x1024xi32>,
    return
  }
  func.func @transform_0(%arg0: i32) -> (i32, i32, i32) {
    %jit3A = arith.constant 1 : i64
    %convert_element_type3A = arith.trunci %jit3A : i64 to i32
    %div3A = arith.divsi %arg0, %convert_element_type3A : i32
    %sign3A = arith.constant 0 : i32
    %sign3A_0 = arith.cmpi sgt, %arg0, %sign3A : i32
    %sign3A_1 = arith.extui %sign3A_0 : i1 to i32
    %sign3A_2 = arith.constant 0 : i32
    %sign3A_3 = arith.cmpi slt, %arg0, %sign3A_2 : i32
    %sign3A_4 = arith.extui %sign3A_3 : i1 to i32
    %sign3A_5 = arith.subi %sign3A_1, %sign3A_4 : i32
    %sign3A_6 = arith.constant 0 : i32
    %sign3A_7 = arith.cmpi sgt, %convert_element_type3A, %sign3A_6 : i32
    %sign3A_8 = arith.extui %sign3A_7 : i1 to i32
    %sign3A_9 = arith.constant 0 : i32
    %sign3A_10 = arith.cmpi slt, %convert_element_type3A, %sign3A_9 : i32
    %sign3A_11 = arith.extui %sign3A_10 : i1 to i32
    %sign3A_12 = arith.subi %sign3A_8, %sign3A_11 : i32
    %ne3A = arith.cmpi ne, %sign3A_5, %sign3A_12 : i32
    %rem3A = arith.remsi %arg0, %convert_element_type3A : i32
    %ne3A_13 = arith.constant 0 : i32
    %ne3A_14 = arith.cmpi ne, %rem3A, %ne3A_13 : i32
    %and3A = arith.andi %ne3A, %ne3A_14 : i1
    %sub3A = arith.constant 1 : i32
    %sub3A_15 = arith.subi %div3A, %sub3A : i32
    %select_n3A = arith.select %and3A, %sub3A_15, %div3A : i32
    %jit3A_16 = arith.constant 1 : i64
    %convert_element_type3A_17 = arith.trunci %jit3A_16 : i64 to i32
    %eq3A = arith.constant 0 : i32
    %eq3A_18 = arith.cmpi eq, %convert_element_type3A_17, %eq3A : i32
    %jit3A_19 = arith.constant 1 : i32
    %select_n3A_20 = arith.select %eq3A_18, %jit3A_19, %convert_element_type3A_17 : i32
    %rem3A_21 = arith.remsi %arg0, %select_n3A_20 : i32
    %ne3A_22 = arith.constant 0 : i32
    %ne3A_23 = arith.cmpi ne, %rem3A_21, %ne3A_22 : i32
    %lt3A = arith.constant 0 : i32
    %lt3A_24 = arith.cmpi slt, %rem3A_21, %lt3A : i32
    %lt3A_25 = arith.constant 0 : i32
    %lt3A_26 = arith.cmpi slt, %select_n3A_20, %lt3A_25 : i32
    %ne3A_27 = arith.xori %lt3A_24, %lt3A_26 : i1
    %and3A_28 = arith.andi %ne3A_27, %ne3A_23 : i1
    %add3A = arith.addi %rem3A_21, %select_n3A_20 : i32
    %select_n3A_29 = arith.select %and3A_28, %add3A, %rem3A_21 : i32
    %c0_i32 = arith.constant 0 : i32
    %c0_i32_30 = arith.constant 0 : i32
    return %select_n3A, %c0_i32, %select_n3A_29 : i32, i32, i32
  }
  func.func @transform_1(%arg0: i32) -> (i32, i32) {
    %c0_i32 = arith.constant 0 : i32
    %c0_i32_0 = arith.constant 0 : i32
    %c0_i32_1 = arith.constant 0 : i32
    return %c0_i32, %c0_i32_0 : i32, i32
  }
  func.func @transform_2(%arg0: i32) -> (i32, i32, i32) {
    %c0_i32 = arith.constant 0 : i32
    %c0_i32_0 = arith.constant 0 : i32
    %c0_i32_1 = arith.constant 0 : i32
    return %arg0, %c0_i32, %c0_i32_0 : i32, i32, i32
  }
  func.func @transform_3(%arg0: i32) -> (i32, i32, i32) {
    %c0_i32 = arith.constant 0 : i32
    %c0_i32_0 = arith.constant 0 : i32
    %c0_i32_1 = arith.constant 0 : i32
    return %arg0, %c0_i32, %c0_i32_0 : i32, i32, i32
  }
}

module attributes {stable_mosaic.version = 14 : i64} {
  func.func @_finish_body(%arg0: i32, %arg1: memref<1x64x1024xf32, #tpu.memory_space<vmem>>, %arg2: memref<1024x64xf32, #tpu.memory_space<vmem>>, %arg3: memref<1024x64xf32, #tpu.memory_space<vmem>>, %arg4: memref<1x1x1024xi32, #tpu.memory_space<vmem>>, %arg5: memref<1x1x1024xi32, #tpu.memory_space<vmem>>, %arg6: memref<1x64x1024xf32, #tpu.memory_space<vmem>>, %arg7: memref<1x1x1024xi32, #tpu.memory_space<vmem>>, %arg8: memref<1x1024xf32, #tpu.memory_space<vmem>>) attributes {dimension_semantics = [#tpu.dimension_semantics<arbitrary>], iteration_bounds = array<i64: 16>, scalar_prefetch = 0 : i64, scratch_operands = 0 : i64, tpu.core_type = #tpu.core_type<tc>, window_params = [{transform_indices = @transform_0, window_bounds = array<i64: 1, 64, 1024>}, {transform_indices = @transform_1, window_bounds = array<i64: 1024, 64>}, {transform_indices = @transform_2, window_bounds = array<i64: 1024, 64>}, {transform_indices = @transform_3, window_bounds = array<i64: 1, 1, 1024>}, {transform_indices = @transform_4, window_bounds = array<i64: 1, 1, 1024>}, {transform_indices = @transform_5, window_bounds = array<i64: 1, 64, 1024>}, {transform_indices = @transform_6, window_bounds = array<i64: 1, 1, 1024>}, {pipeline_mode = #tpu.pipeline_mode<synchronous>, transform_indices = @transform_7, window_bounds = array<i64: 1, 1024>}]} {
    %get3A = arith.constant 0 : index
    %get3A_0 = arith.constant 0 : index
    %get3A_1 = arith.constant 0 : index
    %get3A_2 = vector.load %arg1[%get3A, %get3A_0, %get3A_1] : memref<1x64x1024xf32, #tpu.memory_space<vmem>>, vector<1x64x1024xf32>
    %get3A_3 = vector.shape_cast %get3A_2 : vector<1x64x1024xf32> to vector<64x1024xf32>
    %get3A_4 = arith.constant 0 : index
    %get3A_5 = arith.constant 0 : index
    %get3A_6 = vector.load %arg2[%get3A_4, %get3A_5] : memref<1024x64xf32, #tpu.memory_space<vmem>>, vector<1024x64xf32>
    %transpose3A = tpu.transpose %get3A_6, [1, 0] : vector<1024x64xf32> -> vector<64x1024xf32>
    %get3A_7 = arith.constant 0 : index
    %get3A_8 = arith.constant 0 : index
    %get3A_9 = vector.load %arg3[%get3A_7, %get3A_8] : memref<1024x64xf32, #tpu.memory_space<vmem>>, vector<1024x64xf32>
    %transpose3A_10 = tpu.transpose %get3A_9, [1, 0] : vector<1024x64xf32> -> vector<64x1024xf32>
    %get3A_11 = arith.constant 0 : index
    %get3A_12 = arith.constant 0 : index
    %get3A_13 = arith.constant 0 : index
    %get3A_14 = vector.load %arg4[%get3A_11, %get3A_12, %get3A_13] : memref<1x1x1024xi32, #tpu.memory_space<vmem>>, vector<1x1x1024xi32>
    %get3A_15 = vector.shape_cast %get3A_14 : vector<1x1x1024xi32> to vector<1x1024xi32>
    %convert_element_type3A = arith.sitofp %get3A_15 : vector<1x1024xi32> to vector<1x1024xf32>
    %get3A_16 = arith.constant 0 : index
    %get3A_17 = arith.constant 0 : index
    %get3A_18 = arith.constant 0 : index
    %get3A_19 = vector.load %arg5[%get3A_16, %get3A_17, %get3A_18] : memref<1x1x1024xi32, #tpu.memory_space<vmem>>, vector<1x1x1024xi32>
    %get3A_20 = vector.shape_cast %get3A_19 : vector<1x1x1024xi32> to vector<1x1024xi32>
    %convert_element_type3A_21 = arith.sitofp %get3A_20 : vector<1x1024xi32> to vector<1x1024xf32>
    %mul3A = arith.constant 4.097000e+03 : f32
    %mul3A_22 = vector.broadcast %mul3A : f32 to vector<64x1024xf32>
    %mul3A_23 = arith.mulf %get3A_3, %mul3A_22 : vector<64x1024xf32>
    %sub3A = arith.subf %mul3A_23, %get3A_3 : vector<64x1024xf32>
    %sub3A_24 = arith.subf %mul3A_23, %sub3A : vector<64x1024xf32>
    %sub3A_25 = arith.subf %get3A_3, %sub3A_24 : vector<64x1024xf32>
    %mul3A_26 = arith.constant 4.097000e+03 : f32
    %mul3A_27 = vector.broadcast %mul3A_26 : f32 to vector<64x1024xf32>
    %mul3A_28 = arith.mulf %transpose3A, %mul3A_27 : vector<64x1024xf32>
    %sub3A_29 = arith.subf %mul3A_28, %transpose3A : vector<64x1024xf32>
    %sub3A_30 = arith.subf %mul3A_28, %sub3A_29 : vector<64x1024xf32>
    %sub3A_31 = arith.subf %transpose3A, %sub3A_30 : vector<64x1024xf32>
    %mul3A_32 = arith.mulf %sub3A_24, %sub3A_30 : vector<64x1024xf32>
    %mul3A_33 = arith.mulf %sub3A_24, %sub3A_31 : vector<64x1024xf32>
    %mul3A_34 = arith.mulf %sub3A_25, %sub3A_30 : vector<64x1024xf32>
    %mul3A_35 = arith.mulf %sub3A_25, %sub3A_31 : vector<64x1024xf32>
    %add3A = arith.constant 1.600000e+01 : f32
    %add3A_36 = vector.broadcast %add3A : f32 to vector<64x1024xf32>
    %add3A_37 = arith.addf %mul3A_32, %add3A_36 : vector<64x1024xf32>
    %sub3A_38 = arith.constant 1.600000e+01 : f32
    %sub3A_39 = vector.broadcast %sub3A_38 : f32 to vector<64x1024xf32>
    %sub3A_40 = arith.subf %add3A_37, %sub3A_39 : vector<64x1024xf32>
    %sub3A_41 = arith.subf %mul3A_32, %sub3A_40 : vector<64x1024xf32>
    %add3A_42 = arith.constant 3.906250e-03 : f32
    %add3A_43 = vector.broadcast %add3A_42 : f32 to vector<64x1024xf32>
    %add3A_44 = arith.addf %sub3A_41, %add3A_43 : vector<64x1024xf32>
    %sub3A_45 = arith.constant 3.906250e-03 : f32
    %sub3A_46 = vector.broadcast %sub3A_45 : f32 to vector<64x1024xf32>
    %sub3A_47 = arith.subf %add3A_44, %sub3A_46 : vector<64x1024xf32>
    %add3A_48 = arith.constant 3.906250e-03 : f32
    %add3A_49 = vector.broadcast %add3A_48 : f32 to vector<64x1024xf32>
    %add3A_50 = arith.addf %mul3A_33, %add3A_49 : vector<64x1024xf32>
    %sub3A_51 = arith.constant 3.906250e-03 : f32
    %sub3A_52 = vector.broadcast %sub3A_51 : f32 to vector<64x1024xf32>
    %sub3A_53 = arith.subf %add3A_50, %sub3A_52 : vector<64x1024xf32>
    %add3A_54 = arith.constant 3.906250e-03 : f32
    %add3A_55 = vector.broadcast %add3A_54 : f32 to vector<64x1024xf32>
    %add3A_56 = arith.addf %mul3A_34, %add3A_55 : vector<64x1024xf32>
    %sub3A_57 = arith.constant 3.906250e-03 : f32
    %sub3A_58 = vector.broadcast %sub3A_57 : f32 to vector<64x1024xf32>
    %sub3A_59 = arith.subf %add3A_56, %sub3A_58 : vector<64x1024xf32>
    %add3A_60 = arith.addf %sub3A_47, %sub3A_53 : vector<64x1024xf32>
    %add3A_61 = arith.addf %add3A_60, %sub3A_59 : vector<64x1024xf32>
    %sub3A_62 = arith.subf %sub3A_41, %sub3A_47 : vector<64x1024xf32>
    %sub3A_63 = arith.subf %mul3A_33, %sub3A_53 : vector<64x1024xf32>
    %add3A_64 = arith.addf %sub3A_62, %sub3A_63 : vector<64x1024xf32>
    %sub3A_65 = arith.subf %mul3A_34, %sub3A_59 : vector<64x1024xf32>
    %add3A_66 = arith.addf %add3A_64, %sub3A_65 : vector<64x1024xf32>
    %add3A_67 = arith.addf %add3A_66, %mul3A_35 : vector<64x1024xf32>
    %reduce_sum3A = arith.constant dense<0.000000e+00> : vector<1024xf32>
    %reduce_sum3A_68 = vector.multi_reduction <add>, %sub3A_40, %reduce_sum3A [0] : vector<64x1024xf32> to vector<1024xf32>
    %broadcast_in_dim3A = vector.shape_cast %reduce_sum3A_68 : vector<1024xf32> to vector<1x1024xf32>
    %reduce_sum3A_69 = arith.constant dense<0.000000e+00> : vector<1024xf32>
    %reduce_sum3A_70 = vector.multi_reduction <add>, %add3A_61, %reduce_sum3A_69 [0] : vector<64x1024xf32> to vector<1024xf32>
    %broadcast_in_dim3A_71 = vector.shape_cast %reduce_sum3A_70 : vector<1024xf32> to vector<1x1024xf32>
    %reduce_sum3A_72 = arith.constant dense<0.000000e+00> : vector<1024xf32>
    %reduce_sum3A_73 = vector.multi_reduction <add>, %add3A_67, %reduce_sum3A_72 [0] : vector<64x1024xf32> to vector<1024xf32>
    %broadcast_in_dim3A_74 = vector.shape_cast %reduce_sum3A_73 : vector<1024xf32> to vector<1x1024xf32>
    %mul3A_75 = arith.mulf %sub3A_30, %sub3A_30 : vector<64x1024xf32>
    %mul3A_76 = arith.mulf %sub3A_30, %sub3A_31 : vector<64x1024xf32>
    %mul3A_77 = arith.constant 2.000000e+00 : f32
    %mul3A_78 = vector.broadcast %mul3A_77 : f32 to vector<64x1024xf32>
    %mul3A_79 = arith.mulf %mul3A_78, %mul3A_76 : vector<64x1024xf32>
    %add3A_80 = arith.addf %mul3A_75, %mul3A_79 : vector<64x1024xf32>
    %mul3A_81 = arith.mulf %sub3A_31, %sub3A_31 : vector<64x1024xf32>
    %add3A_82 = arith.addf %add3A_80, %mul3A_81 : vector<64x1024xf32>
    %add3A_83 = arith.constant 1.562500e-02 : f32
    %add3A_84 = vector.broadcast %add3A_83 : f32 to vector<64x1024xf32>
    %add3A_85 = arith.addf %add3A_82, %add3A_84 : vector<64x1024xf32>
    %sub3A_86 = arith.constant 1.562500e-02 : f32
    %sub3A_87 = vector.broadcast %sub3A_86 : f32 to vector<64x1024xf32>
    %sub3A_88 = arith.subf %add3A_85, %sub3A_87 : vector<64x1024xf32>
    %reduce_sum3A_89 = arith.constant dense<0.000000e+00> : vector<1024xf32>
    %reduce_sum3A_90 = vector.multi_reduction <add>, %sub3A_88, %reduce_sum3A_89 [0] : vector<64x1024xf32> to vector<1024xf32>
    %broadcast_in_dim3A_91 = vector.shape_cast %reduce_sum3A_90 : vector<1024xf32> to vector<1x1024xf32>
    %sub3A_92 = arith.subf %add3A_82, %sub3A_88 : vector<64x1024xf32>
    %reduce_sum3A_93 = arith.constant dense<0.000000e+00> : vector<1024xf32>
    %reduce_sum3A_94 = vector.multi_reduction <add>, %sub3A_92, %reduce_sum3A_93 [0] : vector<64x1024xf32> to vector<1024xf32>
    %broadcast_in_dim3A_95 = vector.shape_cast %reduce_sum3A_94 : vector<1024xf32> to vector<1x1024xf32>
    %add3A_96 = arith.addf %broadcast_in_dim3A, %broadcast_in_dim3A_71 : vector<1x1024xf32>
    %sub3A_97 = arith.subf %add3A_96, %broadcast_in_dim3A : vector<1x1024xf32>
    %sub3A_98 = arith.subf %add3A_96, %sub3A_97 : vector<1x1024xf32>
    %sub3A_99 = arith.subf %broadcast_in_dim3A, %sub3A_98 : vector<1x1024xf32>
    %sub3A_100 = arith.subf %broadcast_in_dim3A_71, %sub3A_97 : vector<1x1024xf32>
    %add3A_101 = arith.addf %sub3A_99, %sub3A_100 : vector<1x1024xf32>
    %mul3A_102 = arith.constant 2.000000e+00 : f32
    %mul3A_103 = vector.broadcast %mul3A_102 : f32 to vector<1x1024xf32>
    %mul3A_104 = arith.mulf %mul3A_103, %add3A_96 : vector<1x1024xf32>
    %sub3A_105 = arith.subf %broadcast_in_dim3A_91, %mul3A_104 : vector<1x1024xf32>
    %sub3A_106 = arith.subf %sub3A_105, %broadcast_in_dim3A_91 : vector<1x1024xf32>
    %sub3A_107 = arith.subf %sub3A_105, %sub3A_106 : vector<1x1024xf32>
    %sub3A_108 = arith.subf %broadcast_in_dim3A_91, %sub3A_107 : vector<1x1024xf32>
    %mul3A_109 = arith.constant -2.000000e+00 : f32
    %mul3A_110 = vector.broadcast %mul3A_109 : f32 to vector<1x1024xf32>
    %mul3A_111 = arith.mulf %mul3A_110, %add3A_96 : vector<1x1024xf32>
    %sub3A_112 = arith.subf %mul3A_111, %sub3A_106 : vector<1x1024xf32>
    %add3A_113 = arith.addf %sub3A_108, %sub3A_112 : vector<1x1024xf32>
    %add3A_114 = arith.addf %add3A_113, %broadcast_in_dim3A_95 : vector<1x1024xf32>
    %mul3A_115 = arith.constant 2.000000e+00 : f32
    %mul3A_116 = vector.broadcast %mul3A_115 : f32 to vector<1x1024xf32>
    %mul3A_117 = arith.mulf %mul3A_116, %add3A_101 : vector<1x1024xf32>
    %sub3A_118 = arith.subf %add3A_114, %mul3A_117 : vector<1x1024xf32>
    %mul3A_119 = arith.constant 2.000000e+00 : f32
    %mul3A_120 = vector.broadcast %mul3A_119 : f32 to vector<1x1024xf32>
    %mul3A_121 = arith.mulf %mul3A_120, %broadcast_in_dim3A_74 : vector<1x1024xf32>
    %sub3A_122 = arith.subf %sub3A_118, %mul3A_121 : vector<1x1024xf32>
    %add3A_123 = arith.addf %sub3A_105, %sub3A_122 : vector<1x1024xf32>
    %sub3A_124 = arith.subf %add3A_123, %sub3A_105 : vector<1x1024xf32>
    %sub3A_125 = arith.subf %add3A_123, %sub3A_124 : vector<1x1024xf32>
    %sub3A_126 = arith.subf %sub3A_105, %sub3A_125 : vector<1x1024xf32>
    %sub3A_127 = arith.subf %sub3A_122, %sub3A_124 : vector<1x1024xf32>
    %add3A_128 = arith.addf %sub3A_126, %sub3A_127 : vector<1x1024xf32>
    %mul3A_129 = arith.constant 4.097000e+03 : f32
    %mul3A_130 = vector.broadcast %mul3A_129 : f32 to vector<64x1024xf32>
    %mul3A_131 = arith.mulf %transpose3A_10, %mul3A_130 : vector<64x1024xf32>
    %sub3A_132 = arith.subf %mul3A_131, %transpose3A_10 : vector<64x1024xf32>
    %sub3A_133 = arith.subf %mul3A_131, %sub3A_132 : vector<64x1024xf32>
    %sub3A_134 = arith.subf %transpose3A_10, %sub3A_133 : vector<64x1024xf32>
    %mul3A_135 = arith.mulf %sub3A_24, %sub3A_133 : vector<64x1024xf32>
    %mul3A_136 = arith.mulf %sub3A_24, %sub3A_134 : vector<64x1024xf32>
    %mul3A_137 = arith.mulf %sub3A_25, %sub3A_133 : vector<64x1024xf32>
    %mul3A_138 = arith.mulf %sub3A_25, %sub3A_134 : vector<64x1024xf32>
    %add3A_139 = arith.constant 1.600000e+01 : f32
    %add3A_140 = vector.broadcast %add3A_139 : f32 to vector<64x1024xf32>
    %add3A_141 = arith.addf %mul3A_135, %add3A_140 : vector<64x1024xf32>
    %sub3A_142 = arith.constant 1.600000e+01 : f32
    %sub3A_143 = vector.broadcast %sub3A_142 : f32 to vector<64x1024xf32>
    %sub3A_144 = arith.subf %add3A_141, %sub3A_143 : vector<64x1024xf32>
    %sub3A_145 = arith.subf %mul3A_135, %sub3A_144 : vector<64x1024xf32>
    %add3A_146 = arith.constant 3.906250e-03 : f32
    %add3A_147 = vector.broadcast %add3A_146 : f32 to vector<64x1024xf32>
    %add3A_148 = arith.addf %sub3A_145, %add3A_147 : vector<64x1024xf32>
    %sub3A_149 = arith.constant 3.906250e-03 : f32
    %sub3A_150 = vector.broadcast %sub3A_149 : f32 to vector<64x1024xf32>
    %sub3A_151 = arith.subf %add3A_148, %sub3A_150 : vector<64x1024xf32>
    %add3A_152 = arith.constant 3.906250e-03 : f32
    %add3A_153 = vector.broadcast %add3A_152 : f32 to vector<64x1024xf32>
    %add3A_154 = arith.addf %mul3A_136, %add3A_153 : vector<64x1024xf32>
    %sub3A_155 = arith.constant 3.906250e-03 : f32
    %sub3A_156 = vector.broadcast %sub3A_155 : f32 to vector<64x1024xf32>
    %sub3A_157 = arith.subf %add3A_154, %sub3A_156 : vector<64x1024xf32>
    %add3A_158 = arith.constant 3.906250e-03 : f32
    %add3A_159 = vector.broadcast %add3A_158 : f32 to vector<64x1024xf32>
    %add3A_160 = arith.addf %mul3A_137, %add3A_159 : vector<64x1024xf32>
    %sub3A_161 = arith.constant 3.906250e-03 : f32
    %sub3A_162 = vector.broadcast %sub3A_161 : f32 to vector<64x1024xf32>
    %sub3A_163 = arith.subf %add3A_160, %sub3A_162 : vector<64x1024xf32>
    %add3A_164 = arith.addf %sub3A_151, %sub3A_157 : vector<64x1024xf32>
    %add3A_165 = arith.addf %add3A_164, %sub3A_163 : vector<64x1024xf32>
    %sub3A_166 = arith.subf %sub3A_145, %sub3A_151 : vector<64x1024xf32>
    %sub3A_167 = arith.subf %mul3A_136, %sub3A_157 : vector<64x1024xf32>
    %add3A_168 = arith.addf %sub3A_166, %sub3A_167 : vector<64x1024xf32>
    %sub3A_169 = arith.subf %mul3A_137, %sub3A_163 : vector<64x1024xf32>
    %add3A_170 = arith.addf %add3A_168, %sub3A_169 : vector<64x1024xf32>
    %add3A_171 = arith.addf %add3A_170, %mul3A_138 : vector<64x1024xf32>
    %reduce_sum3A_172 = arith.constant dense<0.000000e+00> : vector<1024xf32>
    %reduce_sum3A_173 = vector.multi_reduction <add>, %sub3A_144, %reduce_sum3A_172 [0] : vector<64x1024xf32> to vector<1024xf32>
    %broadcast_in_dim3A_174 = vector.shape_cast %reduce_sum3A_173 : vector<1024xf32> to vector<1x1024xf32>
    %reduce_sum3A_175 = arith.constant dense<0.000000e+00> : vector<1024xf32>
    %reduce_sum3A_176 = vector.multi_reduction <add>, %add3A_165, %reduce_sum3A_175 [0] : vector<64x1024xf32> to vector<1024xf32>
    %broadcast_in_dim3A_177 = vector.shape_cast %reduce_sum3A_176 : vector<1024xf32> to vector<1x1024xf32>
    %reduce_sum3A_178 = arith.constant dense<0.000000e+00> : vector<1024xf32>
    %reduce_sum3A_179 = vector.multi_reduction <add>, %add3A_171, %reduce_sum3A_178 [0] : vector<64x1024xf32> to vector<1024xf32>
    %broadcast_in_dim3A_180 = vector.shape_cast %reduce_sum3A_179 : vector<1024xf32> to vector<1x1024xf32>
    %mul3A_181 = arith.mulf %sub3A_133, %sub3A_133 : vector<64x1024xf32>
    %mul3A_182 = arith.mulf %sub3A_133, %sub3A_134 : vector<64x1024xf32>
    %mul3A_183 = arith.constant 2.000000e+00 : f32
    %mul3A_184 = vector.broadcast %mul3A_183 : f32 to vector<64x1024xf32>
    %mul3A_185 = arith.mulf %mul3A_184, %mul3A_182 : vector<64x1024xf32>
    %add3A_186 = arith.addf %mul3A_181, %mul3A_185 : vector<64x1024xf32>
    %mul3A_187 = arith.mulf %sub3A_134, %sub3A_134 : vector<64x1024xf32>
    %add3A_188 = arith.addf %add3A_186, %mul3A_187 : vector<64x1024xf32>
    %add3A_189 = arith.constant 1.562500e-02 : f32
    %add3A_190 = vector.broadcast %add3A_189 : f32 to vector<64x1024xf32>
    %add3A_191 = arith.addf %add3A_188, %add3A_190 : vector<64x1024xf32>
    %sub3A_192 = arith.constant 1.562500e-02 : f32
    %sub3A_193 = vector.broadcast %sub3A_192 : f32 to vector<64x1024xf32>
    %sub3A_194 = arith.subf %add3A_191, %sub3A_193 : vector<64x1024xf32>
    %reduce_sum3A_195 = arith.constant dense<0.000000e+00> : vector<1024xf32>
    %reduce_sum3A_196 = vector.multi_reduction <add>, %sub3A_194, %reduce_sum3A_195 [0] : vector<64x1024xf32> to vector<1024xf32>
    %broadcast_in_dim3A_197 = vector.shape_cast %reduce_sum3A_196 : vector<1024xf32> to vector<1x1024xf32>
    %sub3A_198 = arith.subf %add3A_188, %sub3A_194 : vector<64x1024xf32>
    %reduce_sum3A_199 = arith.constant dense<0.000000e+00> : vector<1024xf32>
    %reduce_sum3A_200 = vector.multi_reduction <add>, %sub3A_198, %reduce_sum3A_199 [0] : vector<64x1024xf32> to vector<1024xf32>
    %broadcast_in_dim3A_201 = vector.shape_cast %reduce_sum3A_200 : vector<1024xf32> to vector<1x1024xf32>
    %add3A_202 = arith.addf %broadcast_in_dim3A_174, %broadcast_in_dim3A_177 : vector<1x1024xf32>
    %sub3A_203 = arith.subf %add3A_202, %broadcast_in_dim3A_174 : vector<1x1024xf32>
    %sub3A_204 = arith.subf %add3A_202, %sub3A_203 : vector<1x1024xf32>
    %sub3A_205 = arith.subf %broadcast_in_dim3A_174, %sub3A_204 : vector<1x1024xf32>
    %sub3A_206 = arith.subf %broadcast_in_dim3A_177, %sub3A_203 : vector<1x1024xf32>
    %add3A_207 = arith.addf %sub3A_205, %sub3A_206 : vector<1x1024xf32>
    %mul3A_208 = arith.constant 2.000000e+00 : f32
    %mul3A_209 = vector.broadcast %mul3A_208 : f32 to vector<1x1024xf32>
    %mul3A_210 = arith.mulf %mul3A_209, %add3A_202 : vector<1x1024xf32>
    %sub3A_211 = arith.subf %broadcast_in_dim3A_197, %mul3A_210 : vector<1x1024xf32>
    %sub3A_212 = arith.subf %sub3A_211, %broadcast_in_dim3A_197 : vector<1x1024xf32>
    %sub3A_213 = arith.subf %sub3A_211, %sub3A_212 : vector<1x1024xf32>
    %sub3A_214 = arith.subf %broadcast_in_dim3A_197, %sub3A_213 : vector<1x1024xf32>
    %mul3A_215 = arith.constant -2.000000e+00 : f32
    %mul3A_216 = vector.broadcast %mul3A_215 : f32 to vector<1x1024xf32>
    %mul3A_217 = arith.mulf %mul3A_216, %add3A_202 : vector<1x1024xf32>
    %sub3A_218 = arith.subf %mul3A_217, %sub3A_212 : vector<1x1024xf32>
    %add3A_219 = arith.addf %sub3A_214, %sub3A_218 : vector<1x1024xf32>
    %add3A_220 = arith.addf %add3A_219, %broadcast_in_dim3A_201 : vector<1x1024xf32>
    %mul3A_221 = arith.constant 2.000000e+00 : f32
    %mul3A_222 = vector.broadcast %mul3A_221 : f32 to vector<1x1024xf32>
    %mul3A_223 = arith.mulf %mul3A_222, %add3A_207 : vector<1x1024xf32>
    %sub3A_224 = arith.subf %add3A_220, %mul3A_223 : vector<1x1024xf32>
    %mul3A_225 = arith.constant 2.000000e+00 : f32
    %mul3A_226 = vector.broadcast %mul3A_225 : f32 to vector<1x1024xf32>
    %mul3A_227 = arith.mulf %mul3A_226, %broadcast_in_dim3A_180 : vector<1x1024xf32>
    %sub3A_228 = arith.subf %sub3A_224, %mul3A_227 : vector<1x1024xf32>
    %add3A_229 = arith.addf %sub3A_211, %sub3A_228 : vector<1x1024xf32>
    %sub3A_230 = arith.subf %add3A_229, %sub3A_211 : vector<1x1024xf32>
    %sub3A_231 = arith.subf %add3A_229, %sub3A_230 : vector<1x1024xf32>
    %sub3A_232 = arith.subf %sub3A_211, %sub3A_231 : vector<1x1024xf32>
    %sub3A_233 = arith.subf %sub3A_228, %sub3A_230 : vector<1x1024xf32>
    %add3A_234 = arith.addf %sub3A_232, %sub3A_233 : vector<1x1024xf32>
    %lt3A = arith.cmpf olt, %add3A_229, %add3A_123 : vector<1x1024xf32>
    %eq3A = arith.cmpf oeq, %add3A_229, %add3A_123 : vector<1x1024xf32>
    %lt3A_235 = arith.cmpf olt, %add3A_234, %add3A_128 : vector<1x1024xf32>
    %and3A = arith.andi %eq3A, %lt3A_235 : vector<1x1024xi1>
    %or3A = arith.ori %lt3A, %and3A : vector<1x1024xi1>
    %eq3A_236 = arith.cmpf oeq, %add3A_229, %add3A_123 : vector<1x1024xf32>
    %eq3A_237 = arith.cmpf oeq, %add3A_234, %add3A_128 : vector<1x1024xf32>
    %and3A_238 = arith.andi %eq3A_236, %eq3A_237 : vector<1x1024xi1>
    %lt3A_239 = arith.cmpf olt, %convert_element_type3A_21, %convert_element_type3A : vector<1x1024xf32>
    %and3A_240 = arith.andi %and3A_238, %lt3A_239 : vector<1x1024xi1>
    %or3A_241 = arith.ori %or3A, %and3A_240 : vector<1x1024xi1>
    %broadcast_in_dim3A_242 = vector.shape_cast %or3A_241 : vector<1x1024xi1> to vector<1x1024xi1>
    %broadcast_in_dim3A_243 = vector.broadcast %broadcast_in_dim3A_242 : vector<1x1024xi1> to vector<64x1024xi1>
    %select_n3A = arith.select %broadcast_in_dim3A_243, %transpose3A_10, %transpose3A : vector<64x1024xi1>, vector<64x1024xf32>
    %select_n3A_244 = arith.select %or3A_241, %convert_element_type3A_21, %convert_element_type3A : vector<1x1024xi1>, vector<1x1024xf32>
    %convert_element_type3A_245 = arith.fptosi %select_n3A_244 : vector<1x1024xf32> to vector<1x1024xi32>
    %swap3A = arith.constant 0 : index
    %swap3A_246 = arith.constant 0 : index
    %swap3A_247 = arith.constant 0 : index
    %swap3A_248 = vector.load %arg7[%swap3A, %swap3A_246, %swap3A_247] : memref<1x1x1024xi32, #tpu.memory_space<vmem>>, vector<1x1x1024xi32>
    %swap3A_249 = vector.shape_cast %swap3A_248 : vector<1x1x1024xi32> to vector<1x1024xi32>
    %swap3A_250 = vector.shape_cast %convert_element_type3A_245 : vector<1x1024xi32> to vector<1x1x1024xi32>
    tpu.vector_store %arg7[%swap3A, %swap3A_246, %swap3A_247], %swap3A_250 {strides = array<i32>} : memref<1x1x1024xi32, #tpu.memory_space<vmem>>, vector<1x1x1024xi32>,
    %sub3A_251 = arith.subf %select_n3A, %get3A_3 : vector<64x1024xf32>
    %add3A_252 = arith.addf %get3A_3, %sub3A_251 : vector<64x1024xf32>
    %swap3A_253 = arith.constant 0 : index
    %swap3A_254 = arith.constant 0 : index
    %swap3A_255 = arith.constant 0 : index
    %swap3A_256 = vector.load %arg6[%swap3A_253, %swap3A_254, %swap3A_255] : memref<1x64x1024xf32, #tpu.memory_space<vmem>>, vector<1x64x1024xf32>
    %swap3A_257 = vector.shape_cast %swap3A_256 : vector<1x64x1024xf32> to vector<64x1024xf32>
    %swap3A_258 = vector.shape_cast %add3A_252 : vector<64x1024xf32> to vector<1x64x1024xf32>
    tpu.vector_store %arg6[%swap3A_253, %swap3A_254, %swap3A_255], %swap3A_258 {strides = array<i32>} : memref<1x64x1024xf32, #tpu.memory_space<vmem>>, vector<1x64x1024xf32>,
    %eq3A_259 = arith.constant 0 : i32
    %eq3A_260 = arith.cmpi eq, %arg0, %eq3A_259 : i32
    %convert_element_type3A_261 = arith.extui %eq3A_260 : i1 to i32
    %cond3A = arith.constant 0 : i32
    %cond3A_262 = arith.cmpi ne, %convert_element_type3A_261, %cond3A : i32
    scf.if %cond3A_262 {
      %broadcast_in_dim3A_274 = arith.constant 0.000000e+00 : f32
      %broadcast_in_dim3A_275 = vector.broadcast %broadcast_in_dim3A_274 : f32 to vector<1x1024xf32>
      %swap3A_276 = arith.constant 0 : index
      %swap3A_277 = arith.constant 0 : index
      %swap3A_278 = vector.load %arg8[%swap3A_276, %swap3A_277] : memref<1x1024xf32, #tpu.memory_space<vmem>>, vector<1x1024xf32>
      tpu.vector_store %arg8[%swap3A_276, %swap3A_277], %broadcast_in_dim3A_275 {strides = array<i32>} : memref<1x1024xf32, #tpu.memory_space<vmem>>, vector<1x1024xf32>,
    } else {
    }
    %get3A_263 = arith.constant 0 : index
    %get3A_264 = arith.constant 0 : index
    %get3A_265 = vector.load %arg8[%get3A_263, %get3A_264] : memref<1x1024xf32, #tpu.memory_space<vmem>>, vector<1x1024xf32>
    %mul3A_266 = arith.mulf %sub3A_251, %sub3A_251 : vector<64x1024xf32>
    %reduce_sum3A_267 = arith.constant dense<0.000000e+00> : vector<1024xf32>
    %reduce_sum3A_268 = vector.multi_reduction <add>, %mul3A_266, %reduce_sum3A_267 [0] : vector<64x1024xf32> to vector<1024xf32>
    %broadcast_in_dim3A_269 = vector.shape_cast %reduce_sum3A_268 : vector<1024xf32> to vector<1x1024xf32>
    %add3A_270 = arith.addf %get3A_265, %broadcast_in_dim3A_269 : vector<1x1024xf32>
    %swap3A_271 = arith.constant 0 : index
    %swap3A_272 = arith.constant 0 : index
    %swap3A_273 = vector.load %arg8[%swap3A_271, %swap3A_272] : memref<1x1024xf32, #tpu.memory_space<vmem>>, vector<1x1024xf32>
    tpu.vector_store %arg8[%swap3A_271, %swap3A_272], %add3A_270 {strides = array<i32>} : memref<1x1024xf32, #tpu.memory_space<vmem>>, vector<1x1024xf32>,
    return
  }
  func.func @transform_0(%arg0: i32) -> (i32, i32, i32) {
    %jit3A = arith.constant 1 : i64
    %convert_element_type3A = arith.trunci %jit3A : i64 to i32
    %div3A = arith.divsi %arg0, %convert_element_type3A : i32
    %sign3A = arith.constant 0 : i32
    %sign3A_0 = arith.cmpi sgt, %arg0, %sign3A : i32
    %sign3A_1 = arith.extui %sign3A_0 : i1 to i32
    %sign3A_2 = arith.constant 0 : i32
    %sign3A_3 = arith.cmpi slt, %arg0, %sign3A_2 : i32
    %sign3A_4 = arith.extui %sign3A_3 : i1 to i32
    %sign3A_5 = arith.subi %sign3A_1, %sign3A_4 : i32
    %sign3A_6 = arith.constant 0 : i32
    %sign3A_7 = arith.cmpi sgt, %convert_element_type3A, %sign3A_6 : i32
    %sign3A_8 = arith.extui %sign3A_7 : i1 to i32
    %sign3A_9 = arith.constant 0 : i32
    %sign3A_10 = arith.cmpi slt, %convert_element_type3A, %sign3A_9 : i32
    %sign3A_11 = arith.extui %sign3A_10 : i1 to i32
    %sign3A_12 = arith.subi %sign3A_8, %sign3A_11 : i32
    %ne3A = arith.cmpi ne, %sign3A_5, %sign3A_12 : i32
    %rem3A = arith.remsi %arg0, %convert_element_type3A : i32
    %ne3A_13 = arith.constant 0 : i32
    %ne3A_14 = arith.cmpi ne, %rem3A, %ne3A_13 : i32
    %and3A = arith.andi %ne3A, %ne3A_14 : i1
    %sub3A = arith.constant 1 : i32
    %sub3A_15 = arith.subi %div3A, %sub3A : i32
    %select_n3A = arith.select %and3A, %sub3A_15, %div3A : i32
    %jit3A_16 = arith.constant 1 : i64
    %convert_element_type3A_17 = arith.trunci %jit3A_16 : i64 to i32
    %eq3A = arith.constant 0 : i32
    %eq3A_18 = arith.cmpi eq, %convert_element_type3A_17, %eq3A : i32
    %jit3A_19 = arith.constant 1 : i32
    %select_n3A_20 = arith.select %eq3A_18, %jit3A_19, %convert_element_type3A_17 : i32
    %rem3A_21 = arith.remsi %arg0, %select_n3A_20 : i32
    %ne3A_22 = arith.constant 0 : i32
    %ne3A_23 = arith.cmpi ne, %rem3A_21, %ne3A_22 : i32
    %lt3A = arith.constant 0 : i32
    %lt3A_24 = arith.cmpi slt, %rem3A_21, %lt3A : i32
    %lt3A_25 = arith.constant 0 : i32
    %lt3A_26 = arith.cmpi slt, %select_n3A_20, %lt3A_25 : i32
    %ne3A_27 = arith.xori %lt3A_24, %lt3A_26 : i1
    %and3A_28 = arith.andi %ne3A_27, %ne3A_23 : i1
    %add3A = arith.addi %rem3A_21, %select_n3A_20 : i32
    %select_n3A_29 = arith.select %and3A_28, %add3A, %rem3A_21 : i32
    %c0_i32 = arith.constant 0 : i32
    %c0_i32_30 = arith.constant 0 : i32
    return %select_n3A, %c0_i32, %select_n3A_29 : i32, i32, i32
  }
  func.func @transform_1(%arg0: i32) -> (i32, i32) {
    %c0_i32 = arith.constant 0 : i32
    %c0_i32_0 = arith.constant 0 : i32
    return %arg0, %c0_i32 : i32, i32
  }
  func.func @transform_2(%arg0: i32) -> (i32, i32) {
    %c0_i32 = arith.constant 0 : i32
    %c0_i32_0 = arith.constant 0 : i32
    return %arg0, %c0_i32 : i32, i32
  }
  func.func @transform_3(%arg0: i32) -> (i32, i32, i32) {
    %c0_i32 = arith.constant 0 : i32
    %c0_i32_0 = arith.constant 0 : i32
    %c0_i32_1 = arith.constant 0 : i32
    return %arg0, %c0_i32, %c0_i32_0 : i32, i32, i32
  }
  func.func @transform_4(%arg0: i32) -> (i32, i32, i32) {
    %c0_i32 = arith.constant 0 : i32
    %c0_i32_0 = arith.constant 0 : i32
    %c0_i32_1 = arith.constant 0 : i32
    return %arg0, %c0_i32, %c0_i32_0 : i32, i32, i32
  }
  func.func @transform_5(%arg0: i32) -> (i32, i32, i32) {
    %jit3A = arith.constant 1 : i64
    %convert_element_type3A = arith.trunci %jit3A : i64 to i32
    %div3A = arith.divsi %arg0, %convert_element_type3A : i32
    %sign3A = arith.constant 0 : i32
    %sign3A_0 = arith.cmpi sgt, %arg0, %sign3A : i32
    %sign3A_1 = arith.extui %sign3A_0 : i1 to i32
    %sign3A_2 = arith.constant 0 : i32
    %sign3A_3 = arith.cmpi slt, %arg0, %sign3A_2 : i32
    %sign3A_4 = arith.extui %sign3A_3 : i1 to i32
    %sign3A_5 = arith.subi %sign3A_1, %sign3A_4 : i32
    %sign3A_6 = arith.constant 0 : i32
    %sign3A_7 = arith.cmpi sgt, %convert_element_type3A, %sign3A_6 : i32
    %sign3A_8 = arith.extui %sign3A_7 : i1 to i32
    %sign3A_9 = arith.constant 0 : i32
    %sign3A_10 = arith.cmpi slt, %convert_element_type3A, %sign3A_9 : i32
    %sign3A_11 = arith.extui %sign3A_10 : i1 to i32
    %sign3A_12 = arith.subi %sign3A_8, %sign3A_11 : i32
    %ne3A = arith.cmpi ne, %sign3A_5, %sign3A_12 : i32
    %rem3A = arith.remsi %arg0, %convert_element_type3A : i32
    %ne3A_13 = arith.constant 0 : i32
    %ne3A_14 = arith.cmpi ne, %rem3A, %ne3A_13 : i32
    %and3A = arith.andi %ne3A, %ne3A_14 : i1
    %sub3A = arith.constant 1 : i32
    %sub3A_15 = arith.subi %div3A, %sub3A : i32
    %select_n3A = arith.select %and3A, %sub3A_15, %div3A : i32
    %jit3A_16 = arith.constant 1 : i64
    %convert_element_type3A_17 = arith.trunci %jit3A_16 : i64 to i32
    %eq3A = arith.constant 0 : i32
    %eq3A_18 = arith.cmpi eq, %convert_element_type3A_17, %eq3A : i32
    %jit3A_19 = arith.constant 1 : i32
    %select_n3A_20 = arith.select %eq3A_18, %jit3A_19, %convert_element_type3A_17 : i32
    %rem3A_21 = arith.remsi %arg0, %select_n3A_20 : i32
    %ne3A_22 = arith.constant 0 : i32
    %ne3A_23 = arith.cmpi ne, %rem3A_21, %ne3A_22 : i32
    %lt3A = arith.constant 0 : i32
    %lt3A_24 = arith.cmpi slt, %rem3A_21, %lt3A : i32
    %lt3A_25 = arith.constant 0 : i32
    %lt3A_26 = arith.cmpi slt, %select_n3A_20, %lt3A_25 : i32
    %ne3A_27 = arith.xori %lt3A_24, %lt3A_26 : i1
    %and3A_28 = arith.andi %ne3A_27, %ne3A_23 : i1
    %add3A = arith.addi %rem3A_21, %select_n3A_20 : i32
    %select_n3A_29 = arith.select %and3A_28, %add3A, %rem3A_21 : i32
    %c0_i32 = arith.constant 0 : i32
    %c0_i32_30 = arith.constant 0 : i32
    return %select_n3A, %c0_i32, %select_n3A_29 : i32, i32, i32
  }
  func.func @transform_6(%arg0: i32) -> (i32, i32, i32) {
    %c0_i32 = arith.constant 0 : i32
    %c0_i32_0 = arith.constant 0 : i32
    %c0_i32_1 = arith.constant 0 : i32
    return %arg0, %c0_i32, %c0_i32_0 : i32, i32, i32
  }
  func.func @transform_7(%arg0: i32) -> (i32, i32) {
    %c0_i32 = arith.constant 0 : i32
    %c0_i32_0 = arith.constant 0 : i32
    %c0_i32_1 = arith.constant 0 : i32
    return %c0_i32, %c0_i32_0 : i32, i32
  }
}

</mosaic_0001>

<sc_bundles>
// kernel: kernel.5.cloned.1.call-start
scs
__scs_entry_jumppad:
0x0: {  	(pc) =	sbr.rel $0x88, $3  }
0x1: {  	(tag) =	ssettag $0x0;
	lr =	simm.s32 $0x1  }
0x2: {  	[smem:$0x3F9F] =	sst lr;
	_ =	strace $0xD0000000  }
0x3: {  	_ = 	snop  }
0x4: {  	_ = 	snop  }
0x5: {  	_ = 	snop  }
0x6: {  	_ = 	snop  }
0x7: {  	_ = 	snop  }
__scs_overlays_trampoline_lowered:
0x8: {  	[smem:$0x3FAE] =	sst s0  }
0x9: {  	[smem:$0x3FAF] =	sst s1  }
0xa: {  	[smem:$0x3FB0] =	sst s2  }
0xb: {  	[smem:$0x3FB1] =	sst s3  }
0xc: {  	[smem:$0x3FB2] =	sst s4  }
0xd: {  	[smem:$0x3FB3] =	sst s5  }
0xe: {  	[smem:$0x3FB4] =	sst s6  }
0xf: {  	[smem:$0x3FB5] =	sst s7  }
0x10: {  	[smem:$0x3FB6] =	sst s8  }
0x11: {  	[smem:$0x3FB7] =	sst s9;
	s0 =	simm.s32 @!p0 $0x0  }
0x12: {  	s1 =	sld [smem:$0x3F9D];
	s0 =	simm.s32 @p0 $0x1  }
0x13: {  	[smem:$0x3FB8] =	sst s0;
	s0 =	simm.s32 @!p1 $0x0  }
0x14: {  	s2 =	sld [smem:$0x3F9C];
	s0 =	simm.s32 @p1 $0x1  }
0x15: {  	[smem:$0x3FB9] =	sst s0;
	s0 =	simm.s32 @!p2 $0x0  }
0x16: {  	s3 =	sld [smem:$0x3FDB];
	s0 =	simm.s32 @p2 $0x1  }
0x17: {  	s4 =	simm.s32 $0x1BF5;
	[smem:$0x3FBB] =	sst s0  }
0x18: {  	s0 =	sld [smem:$0x3F9E];
	_ =	swait.ge [sflag:s4], $0x0  }
0x19: {  	s7 =	sld [smem:$0x3F9F]  }
0x1a: {  	s8 =	sadd.s32 $0xFFFFE003, lr  }
0x1b: {  	s9 =	sadd.s32 $0xFFFFFEF7, lr;
	s5 =	simm.s32 $0xFFFFFFFF;
	p2 =	slt.u32 s8, $0xFFFFF086  }
0x1c: {  	p1 =	slt.u32 s9, $0xF7A;
	s5 =	simm.s32 @!p2 $0x0  }
0x1d: {  	s5 =	simm.s32 @p1 $0x1;
	p0 =	seq.s32 s7, s2  }
0x1e: {  	s7 =	smul.u32 @!p0 $0xF7A, s2;
	p2 =	seq.s32 @!p0 s5, $0x0  }
0x1f: {  	s9 =	smul.u32 $0xF7A, s1;
	s8 =	simm.s32 @!p0 $0x1BF5;
	p2 =	por !p2, p0  }
0x20: {  	[sflag:s8] =	ssyncset.s32 @!p0 $0xFFFFF086;
	s6 =	sadd.s32 @!p0 s3, s7;
	s7 =	simm.s32 @!p0 $0x108  }
0x21: {  	s3 =	sadd.s32 s3, s9;
	s6 =	sadd.s32 @!p0 $0x88, s6;
	s7 =	simm.s32 @p2 $0x1082  }
0x22: {  	[simem:s7], [sflag:s8] =	dma.local @!p0 [hbm:s6], $0xF7A  }
0x23: {  	s9 =	sor.u32 $0xD0000000, s2;
	s6 =	simm.s32 $0x108;
	_ =	swait.ge @!p0 [sflag:s8], $0x0  }
0x24: {  	s3 =	sadd.s32 $0x88, s3;
	s6 =	simm.s32 @!p1 $0x1082;
	[sflag:s4] =	ssyncset.s32 $0xFFFFF086  }
0x25: {  	[simem:s6], [sflag:s4] =	dma.local [hbm:s3], $0xF7A  }
0x26: {  	[smem:$0x3F9F] =	sst s1;
	(tag) =	ssettag s2;
	_ =	strace s9  }
0x27: {  	s1 =	sld [smem:$0x3FAF]  }
0x28: {  	s2 =	sld [smem:$0x3FB0]  }
0x29: {  	s4 =	sld [smem:$0x3FB2]  }
0x2a: {  	p0 =	seq.s32 s5, $0x0;
	s5 =	sld [smem:$0x3FB3]  }
0x2b: {  	s6 =	sld [smem:$0x3FB4]  }
0x2c: {  	s7 =	sld [smem:$0x3FB5]  }
0x2d: {  	s3 =	simm.s32 $0x108;
	s8 =	sld [smem:$0x3FB6]  }
0x2e: {  	s3 =	simm.s32 @!p0 $0x1082;
	s9 =	sld [smem:$0x3FB7]  }
0x2f: {  	lr =	sadd.s32 s0, s3;
	s0 =	sld [smem:$0x3FAE]  }
0x30: {  	s3 =	sld [smem:$0x3FB1]  }
0x31: {  	[smem:$0x3FBA] =	sst s10  }
0x32: {  	s10 =	sld [smem:$0x3FB8];
	_ =	sdelay $0x3  }
0x33: {  	p0 =	seq.s32 s10, $0x1;
	s10 =	sld [smem:$0x3FBA];
	_ =	sdelay $0x3  }
0x34: {  	[smem:$0x3FBA] =	sst s10  }
0x35: {  	s10 =	sld [smem:$0x3FB9];
	_ =	sdelay $0x3  }
0x36: {  	p1 =	seq.s32 s10, $0x1;
	s10 =	sld [smem:$0x3FBA];
	_ =	sdelay $0x3  }
0x37: {  	[smem:$0x3FBA] =	sst s10  }
0x38: {  	s10 =	sld [smem:$0x3FBB]  }
0x39: {  	_ = 	snop;
	(pc) =	sbr.ind lr, $3  }
0x3a: {  	_ = 	snop  }
0x3b: {  	_ = 	snop  }
0x3c: {  	p2 =	seq.s32 s10, $0x1;
	s10 =	sld [smem:$0x3FBA]  }
0x3d: {  	_ =	shalt  }
0x3e: {  	_ =	shalt  }
0x3f: {  	_ =	shalt  }
0x40: {  	_ =	shalt  }
0x41: {  	_ =	shalt  }
0x42: {  	_ =	shalt  }
0x43: {  	_ =	shalt  }
0x44: {  	_ =	shalt  }
0x45: {  	_ =	shalt  }
0x46: {  	_ =	shalt  }
0x47: {  	_ =	shalt  }
0x48: {  	_ =	shalt  }
0x49: {  	_ =	shalt  }
0x4a: {  	_ =	shalt  }
0x4b: {  	_ =	shalt  }
0x4c: {  	_ =	shalt  }
0x4d: {  	_ =	shalt  }
0x4e: {  	_ =	shalt  }
0x4f: {  	_ =	shalt  }
0x50: {  	_ =	shalt  }
0x51: {  	_ =	shalt  }
0x52: {  	_ =	shalt  }
0x53: {  	_ =	shalt  }
0x54: {  	_ =	shalt  }
0x55: {  	_ =	shalt  }
0x56: {  	_ =	shalt  }
0x57: {  	_ =	shalt  }
0x58: {  	_ =	shalt  }
0x59: {  	_ =	shalt  }
0x5a: {  	_ =	shalt  }
0x5b: {  	_ =	shalt  }
0x5c: {  	_ =	shalt  }
0x5d: {  	_ =	shalt  }
0x5e: {  	_ =	shalt  }
0x5f: {  	_ =	shalt  }
0x60: {  	_ =	shalt  }
0x61: {  	_ =	shalt  }
0x62: {  	_ =	shalt  }
0x63: {  	_ =	shalt  }
0x64: {  	_ =	shalt  }
0x65: {  	_ =	shalt  }
0x66: {  	_ =	shalt  }
0x67: {  	_ =	shalt  }
0x68: {  	_ =	shalt  }
0x69: {  	_ =	shalt  }
0x6a: {  	_ =	shalt  }
0x6b: {  	_ =	shalt  }
0x6c: {  	_ =	shalt  }
0x6d: {  	_ =	shalt  }
0x6e: {  	_ =	shalt  }
0x6f: {  	_ =	shalt  }
0x70: {  	_ =	shalt  }
0x71: {  	_ =	shalt  }
0x72: {  	_ =	shalt  }
0x73: {  	_ =	shalt  }
0x74: {  	_ =	shalt  }
0x75: {  	_ =	shalt  }
0x76: {  	_ =	shalt  }
0x77: {  	_ =	shalt  }
0x78: {  	_ =	shalt  }
0x79: {  	_ =	shalt  }
0x7a: {  	_ =	shalt  }
0x7b: {  	_ =	shalt  }
0x7c: {  	_ =	shalt  }
0x7d: {  	_ =	shalt  }
0x7e: {  	_ =	shalt  }
0x7f: {  	_ =	shalt  }
0x80: {  	_ =	shalt  }
0x81: {  	_ =	shalt  }
0x82: {  	_ =	shalt  }
0x83: {  	_ =	shalt  }
0x84: {  	_ =	shalt  }
0x85: {  	_ =	shalt  }
0x86: {  	_ =	shalt  }
0x87: {  	_ =	shalt  }
.Lfunc_end0:
.L_simem_size_0:
called_computation_lowered:
.L_overlay_start_0:
0x88: {  	s2 =	sld [smem:$0x3FD9]  }
0x89: {  	s3 =	sld [smem:$0x3FFE];
	_ =	sdelay $0x1  }
0x8a: {  	s1 =	srdreg.scid  }
0x8b: {  	s0 =	sand.u32 $0x1, s1  }
0x8c: {  	s14 =	sshll.u32 s0, $0xA;
	s2 =	sadd.s32 s3, s2  }
0x8d: {  	s2 =	sadd.s32 s2, s14  }
0x8e: {  	[smem:$0x3FC6] =	sst s2  }
0x8f: {  	_ = 	snop  }
0x90: {  	s2 =	sld [smem:$0x3FD0];
	_ =	sdelay $0x2  }
0x91: {  	s15 =	simm.s32 $0xA;
	s4 =	simm.s32 $0x10  }
0x92: {  	[smem:s4], [sflag:s15] =	dma.local [hbm:s2], $0x1  }
0x93: {  	_ =	swait.eq [sflag:s15], $0x1  }
0x94: {  	[sflag:s15] =	ssyncset.done $0x0  }
0x95: {  	s16 =	sld [smem:$0x10];
	[sflag:s15] =	ssyncadd.s32 $0xFFFFFFFF  }
0x96: {  	s17 =	sld [smem:$0x14];
	(tm) =	ssettm $0x1  }
0x97: {  	s18 =	sld [smem:$0x3FFB];
	_ =	sdelay $0x3  }
0x98: {  	_ =	strace s18  }
0x99: {  	s4 =	sld [smem:$0x3FFC];
	_ =	sdelay $0x3  }
0x9a: {  	_ =	strace s4  }
0x9b: {  	s4 =	sld [smem:$0x3FFD];
	_ =	sdelay $0x3  }
0x9c: {  	_ =	strace s4  }
0x9d: {  	_ =	strace $0x8FFFFFFF  }
0x9e: {  	s19 =	sld [smem:$0x3FDB];
	_ =	sdelay $0x1  }
0x9f: {  	s5 =	simm.s32 $_scs_section_size  }
0xa0: {  	s6 =	simm.s32 $_size__tile_overlayer_lowered;
	s7 =	simm.s32 $_tile_overlayer_lowered  }
0xa1: {  	s22 =	simm.s32 $0x1BFF;
	s21 =	sshll.u32 s7, $0x1;
	s4 =	sadd.s32 s5, s19  }
0xa2: {  	s8 =	simm.s32 $0x0;
	s20 =	sshll.u32 s6, $0x1;
	s6 =	sadd.s32 s21, s4  }
0xa3: {  	[timem:s8], [sflag:s22] =	dma.local [hbm:s6], s20  }
0xa4: {  	_ =	swait.ge [sflag:s22], s20  }
0xa5: {  	s5 =	ssub.s32 $0x0, s20;
	[sflag:s22] =	ssyncset.done $0x0  }
0xa6: {  	[sflag:s22] =	ssyncadd.s32 s5;
	_ =	sdelay $0x1  }
0xa7: {  	s23 =	simm.s32 $0x1B8B  }
0xa8: {  	_ =	swait.ge [sflag:s23], $0x1  }
0xa9: {  	[sflag:s23] =	ssyncset.done $0x0  }
0xaa: {  	s25 =	simm.s32 $0x1B8E;
	s24 =	sld [smem:$0x3FFE];
	[sflag:s23] =	ssyncadd.s32 $0xFFFFFFFF  }
0xab: {  	s26 =	simm.s32 $execute0_lowered;
	[smem:$0x3FD2] =	sst s25  }
0xac: {  	s6 =	sshll.u32 s26, $0x1;
	_ =	strace $0x80000046;
	[dreg:$0x1] =	wrdreg $0xFFFFFFFF  }
0xad: {  	s28 =	simm.s32 $_size_execute0_lowered;
	s4 =	sadd.s32 s4, s6;
	[dreg:$0x0] =	wrdreg $0x0  }
0xae: {  	s6 =	sshll.u32 s28, $0x1;
	[dreg:$0x2] =	wrdreg s4  }
0xaf: {  	[dreg:$0x3] =	wrdreg s6  }
0xb0: {  	[dreg:$0x4] =	wrdreg $0xC0  }
0xb1: {  	_ =	task [dreg:s8], $0x5FFFF  }
0xb2: {  	[dreg:$0x1] =	wrdreg $0xFFFFFFFF  }
0xb3: {  	[dreg:$0x0] =	wrdreg $0x60  }
0xb4: {  	[dreg:$0x2] =	wrdreg s24  }
0xb5: {  	[dreg:$0x3] =	wrdreg s17  }
0xb6: {  	[dreg:$0x4] =	wrdreg s16  }
0xb7: {  	[dreg:$0x5] =	wrdreg $0x9  }
0xb8: {  	_ =	task.clear_ibuf [dreg:s8], $0x6FFFF;
	_ =	strace $0x90000046  }
0xb9: {  	s29 =	simm.s32 $0x9;
	_ =	strace $0x80000048  }
0xba: {  	_ =	swait.ge [sflag:s29], $0x1  }
0xbb: {  	[sflag:s29] =	ssyncadd.s32 $0xFFFFFFFF  }
0xbc: {  	_ =	strace $0x90000048  }
0xbd: {  	_ =	sfence  }
0xbe: {  	s30 =	sld [smem:$0x0];
	_ =	sdelay $0x2  }
0xbf: {  	s31 =	sshll.u32 s1, $0xD;
	s1 =	sshrl.u32 s1, $0x2  }
0xc0: {  	s3 =	sand.u32 $0x4000, s31;
	s1 =	sadd.s32 s1, s30  }
0xc1: {  	s0 =	sor.u32 s3, s0;
	s1 =	sshll.u32 s1, $0x11  }
0xc2: {  	s0 =	sor.u32 s1, s0  }
0xc3: {  	s0 =	sadd.s32 $0x8F2B, s0  }
0xc4: {  	[sflag:s0] =	ssyncadd.remote.s32 $0x1  }
0xc5: {  	_ =	sfence.sel $0xFFFF  }
0xc6: {  	[dreg:$0x0] =	wrdreg $0xFFFFFFFF;
	(pc) =	sbr.abs _section_cstart, $3  }
0xc7: {  	[dreg:$0x1] =	wrdreg $0xFFFFFFFF  }
0xc8: {  	_ =	task.clear_ibuf [dreg:s8], $0x2FFFF;
	_ =	strace $0x9FFFFFFF  }
0xc9: {  	(tm) =	ssettm $0x7FFFFFFF  }
tec
execute0_lowered:
.L_overlay_start_1:
0x0: {  	(tag) =	ssettag $0x1  }
0x1: {  	s11 =	rddreg [dreg:$0x0];
	s1 =	srdreg.scid  }
0x2: {  	s3 =	rddreg [dreg:$0x1];
	s0 =	stileid.u32;
	s10 =	sand.u32 $0x1, s1  }
0x3: {  	s12 =	rddreg [dreg:$0x2];
	s4 =	sshll.u32 s0, $0xA;
	s5 =	sshll.u32 s10, $0x9  }
0x4: {  	s2 =	simm.s32 $0x0;
	s1 =	rddreg [dreg:$0x3];
	s13 =	sor.u32 s5, s4  }
0x5: {  	[smem:$0x7FF] =	sst s2;
	s5 =	sshrl.u32 s13, $0x3  }
0x6: {  	_ =	strace $0x80000047;
	s4 =	sadd.s32 s3, s5;
	s3 =	simm.s32 $0x2  }
0x7: {  	[tilespmem:s2], [sflag:$0x2] =	stream.linear.gather [hbm4b:s4+s2], $0x200, $0x38;
	[tilespmem:$0x10400] =	vst v63  }
0x8: {  	_ =	swait.ge [sflag:s3], $0x200  }
0x9: {  	s5 =	sadd.s32 s5, s11;
	[sflag:s3] =	ssyncset.done $0x0  }
0xa: {  	s6 =	simm.s32 $0x200;
	s5 =	sadd.s32 $0x3600, s5;
	[sflag:s3] =	ssyncadd.s32 $0xFFFFFE00  }
0xb: {  	[tilespmem:s6], [sflag:$0x2] =	stream.linear.gather [hbm4b:s5+s2], $0x200, $0x38;
	[tilespmem:$0x10400] =	vst v63  }
0xc: {  	_ =	swait.ge [sflag:s3], $0x200  }
0xd: {  	s8 =	simm.s32 $0x400;
	s9 =	simm.s32 $0x1;
	[sflag:s3] =	ssyncset.done $0x0  }
0xe: {  	s7 =	sadd.s32 $0x1600, s11;
	s14 =	ssub.s32 $0x2, s10;
	[sflag:s3] =	ssyncadd.s32 $0xFFFFFE00  }
0xf: {  	[tilespmem:s8], [sflag:$0x1] =	stream.indirect.gather [hbm4b:s7+s8], $0x40, s2, s8, $0xb8;
	[tilespmem:$0x10400] =	vst v63  }
0x10: {  	s30 =	sshrl.u32 s14, $0x1;
	s13 =	sshll.u32 s13, $0x3;
	_ =	swait.ge [sflag:s9], $0x10000  }
0x11: {  	s10 =	sadd.s32 s12, s13;
	s12 =	ssub.s32 s14, s30;
	[sflag:s9] =	ssyncset.done $0x0  }
0x12: {  	s31 =	smax.u32 s12, $0x1;
	[sflag:s9] =	ssyncadd.s32 $0xFFFF0000  }
0x13: {  	[hbm4b:s10+s2] =	stream.linear.scatter [tilespmem:s8], [sflag:$0x2], $0x8000, $0x38;
	[tilespmem:$0x10400] =	vst v63  }
0x14: {  	p0 =	sne.s32 s31, $0x1;
	_ =	swait.ge [sflag:s3], $0x8000  }
.Ltmp0:
0x15: {  	s11 =	sadd.s32 s13, s11;
	[sflag:s3] =	ssyncset.done $0x0;
	(pc) =	sbr.rel @!p0 .LBB2_2-.Ltmp0, $4  }
0x16: {  	s11 =	sadd.s32 $0x3E00, s11;
	s12 =	simm.s32 $0x8400;
	[sflag:s3] =	ssyncadd.s32 $0xFFFF8000  }
0x17: {  	[hbm4b:s11+s2] =	stream.linear.scatter [tilespmem:s12], [sflag:$0x2], $0x8000, $0x38;
	[tilespmem:$0x10400] =	vst v63  }
0x18: {  	_ =	swait.ge [sflag:s3], $0x8000  }
0x19: {  	s13 =	sadd.s32 $0xFFFFFFFF, s31;
	[sflag:s3] =	ssyncset.done $0x0  }
.LBB2_1:
0x1a: {  	p0 =	sne.s32 s13, $0x1;
	s13 =	sadd.s32 $0xFFFFFFFF, s13;
	[sflag:s3] =	ssyncadd.s32 $0xFFFF8000  }
0x1b: {  	[tilespmem:s2], [sflag:$0x2] =	stream.linear.gather [hbm4b:s4+s2], $0x200, $0x38;
	[tilespmem:$0x10400] =	vst v63  }
0x1c: {  	_ =	swait.ge [sflag:s3], $0x200  }
0x1d: {  	[sflag:s3] =	ssyncset.done $0x0  }
0x1e: {  	[sflag:s3] =	ssyncadd.s32 $0xFFFFFE00  }
0x1f: {  	[tilespmem:s6], [sflag:$0x2] =	stream.linear.gather [hbm4b:s5+s2], $0x200, $0x38;
	[tilespmem:$0x10400] =	vst v63  }
0x20: {  	_ =	swait.ge [sflag:s3], $0x200  }
0x21: {  	[sflag:s3] =	ssyncset.done $0x0  }
0x22: {  	[sflag:s3] =	ssyncadd.s32 $0xFFFFFE00  }
0x23: {  	[tilespmem:s8], [sflag:$0x1] =	stream.indirect.gather [hbm4b:s7+s8], $0x40, s2, s8, $0xb8;
	[tilespmem:$0x10400] =	vst v63  }
0x24: {  	_ =	swait.ge [sflag:s9], $0x10000  }
0x25: {  	[sflag:s9] =	ssyncset.done $0x0  }
0x26: {  	[sflag:s9] =	ssyncadd.s32 $0xFFFF0000  }
0x27: {  	[hbm4b:s10+s2] =	stream.linear.scatter [tilespmem:s8], [sflag:$0x2], $0x8000, $0x38;
	[tilespmem:$0x10400] =	vst v63  }
0x28: {  	_ =	swait.ge [sflag:s3], $0x8000  }
.Ltmp1:
0x29: {  	[sflag:s3] =	ssyncset.done $0x0;
	(pc) =	sbr.rel @p0 .LBB2_1-.Ltmp1, $4  }
0x2a: {  	[sflag:s3] =	ssyncadd.s32 $0xFFFF8000  }
0x2b: {  	[hbm4b:s11+s2] =	stream.linear.scatter [tilespmem:s12], [sflag:$0x2], $0x8000, $0x38;
	[tilespmem:$0x10400] =	vst v63  }
0x2c: {  	_ =	swait.ge [sflag:s3], $0x8000  }
0x2d: {  	[sflag:s3] =	ssyncset.done $0x0  }
.LBB2_2:
0x2e: {  	[sflag:s3] =	ssyncadd.s32 $0xFFFF8000  }
0x2f: {  	_ =	sfence.sel $0x180000  }
0x30: {  	[bflag:$0x0] =	sbarrier.arrive $0xFFFF  }
0x31: {  	p0 =	sne.s32 s0, $0x0;
	_ =	strace $0x90000047  }
0x32: {  	s0 =	sadd.s32 @!p0 $0x100000, s1;
	[bflag:$0x2] =	sbarrier.arrive $0xFFFF  }
0x33: {  	[sflag:s0] =	ssyncadd.tile.s32 @!p0 $0x1;
	_ =	shalt  }
.Lfunc_end2:
_tile_overlayer_lowered:
.L_overlay_start_2:
0x34: {  	(tag) =	ssettag $0x2  }
0x35: {  	s0 =	rddreg [dreg:$0x0];
	s2 =	stileid.u32  }
0x36: {  	s1 =	rddreg [dreg:$0x1];
	p0 =	sne.s32 s2, $0x0  }
0x37: {  	s3 =	rddreg [dreg:$0x2];
	[bflag:$0x3] =	sbarrier.arrive $0xFFFF;
	s2 =	simm.s32 @!p0 $0x1C02  }
0x38: {  	[timem:s3], [sflag:s2] =	dma.local @!p0 [hbm:s0], s1  }
0x39: {  	s0 =	simm.s32 @!p0 $0x2  }
0x3a: {  	_ =	swait.ge @!p0 [sflag:s0], s1  }
0x3b: {  	s1 =	ssub.s32 @!p0 $0x0, s1;
	[sflag:s0] =	ssyncset.done @!p0 $0x0  }
0x3c: {  	[sflag:s0] =	ssyncadd.s32 @!p0 s1  }
0x3d: {  	[bflag:$0x3] =	sbarrier.arrive $0xFFFF  }
0x3e: {  	_ =	shalt  }

</sc_bundles>
